<compile_context>
chip_gen: v7x
topology: tpu7x:2x2x1
jax: 0.10.2.dev20260603
libtpu: 0.0.44.dev20260713+nightly
codegen_flags: <defaults>
</compile_context>

<pallas_src>
import functools

import jax
import jax.numpy as jnp
from jax import lax
from jax.experimental import pallas as pl
from jax.experimental.pallas import tpu as pltpu
from jax.experimental.pallas import tpu_sc as plsc

N = 10000
IN = 128
HID = 128
LAT = 64
FEAT = 128
NC = 16
E = 160000

NP = 10112
EP = 163840
NCORE = 2
NSUB = 16
NW = NCORE * NSUB
CHUNK = 128
TCHUNK = EP // CHUNK
RPT = NP // NSUB
DEGW = 128
NBUF = 2
NC0 = 64
NC1 = 16
NDEG = TCHUNK // NW

_mesh = plsc.VectorSubcoreMesh(core_axis_name="c", subcore_axis_name="s")
f32 = jnp.float32



def _deg_body(dst_hbm, ones_hbm, zrows_hbm, out_hbm, idx_v, ones_v, acc_sh):
    c = lax.axis_index("c")
    s = lax.axis_index("s")
    wid = c * NSUB + s
    rsl = pl.ds(s * RPT, RPT)
    pltpu.sync_copy(zrows_hbm, acc_sh.at[rsl])
    pltpu.sync_copy(ones_hbm, ones_v)
    pltpu.sync_copy(dst_hbm.at[pl.ds(wid * NDEG, NDEG)], idx_v)
    plsc.subcore_barrier()

    def body(i, carry):
        pltpu.sync_copy(ones_v, acc_sh.at[idx_v.at[i]], add=True)
        return carry

    lax.fori_loop(0, NDEG, body, 0)
    plsc.subcore_barrier()
    pltpu.sync_copy(acc_sh.at[rsl], out_hbm.at[pl.ds(c * NP + s * RPT, RPT)])


_deg_call = functools.partial(
    pl.kernel,
    out_type=jax.ShapeDtypeStruct((NCORE * NP, DEGW), f32),
    mesh=_mesh,
    scratch_types=[
        pltpu.VMEM((NDEG, CHUNK), jnp.int32),
        pltpu.VMEM((CHUNK, DEGW), f32),
        pltpu.VMEM_SHARED((NP, DEGW), f32),
    ],
)(_deg_body)


def _agg_body(hs_hbm, src_hbm, dst_hbm, zrows_hbm, out_hbm,
              idxs_v, idxd_v, rows0, rows1, acc_sh, sem0, sem1):
    rows = (rows0, rows1)
    sems = (sem0, sem1)
    c = lax.axis_index("c")
    s = lax.axis_index("s")
    rsl = pl.ds(s * RPT, RPT)
    pltpu.sync_copy(zrows_hbm, acc_sh.at[rsl])

    def run(row0, nchunks):
        pltpu.sync_copy(src_hbm.at[pl.ds(row0, nchunks)],
                        idxs_v.at[pl.ds(0, nchunks)])
        pltpu.sync_copy(dst_hbm.at[pl.ds(row0, nchunks)],
                        idxd_v.at[pl.ds(0, nchunks)])
        plsc.subcore_barrier()

        def fire(chunk, b):
            pltpu.async_copy(hs_hbm.at[idxs_v.at[chunk]], rows[b], sems[b])

        for b in range(NBUF):
            fire(b, b)
        ngroup = nchunks // NBUF

        def gbody(g, carry):
            for b in range(NBUF):
                chunk = g * NBUF + b
                pltpu.make_async_copy(hs_hbm.at[idxs_v.at[chunk]],
                                      rows[b], sems[b]).wait()
                pltpu.sync_copy(rows[b], acc_sh.at[idxd_v.at[chunk]], add=True)

                @pl.when(g + 1 < ngroup)
                def _():
                    fire(chunk + NBUF, b)
            return carry

        lax.fori_loop(0, ngroup, gbody, 0)
        rem = nchunks - ngroup * NBUF
        for r in range(rem):
            chunk = ngroup * NBUF + r
            fire(chunk, r)
            pltpu.make_async_copy(hs_hbm.at[idxs_v.at[chunk]],
                                  rows[r], sems[r]).wait()
            pltpu.sync_copy(rows[r], acc_sh.at[idxd_v.at[chunk]], add=True)

    @pl.when(c == 0)
    def _():
        run(s * NC0, NC0)

    @pl.when(c == 1)
    def _():
        run(NSUB * NC0 + s * NC1, NC1)

    plsc.subcore_barrier()
    pltpu.sync_copy(acc_sh.at[rsl], out_hbm.at[pl.ds(c * NP + s * RPT, RPT)])


_agg_call = functools.partial(
    pl.kernel,
    out_type=jax.ShapeDtypeStruct((NCORE * NP, HID), f32),
    mesh=_mesh,
    scratch_types=[
        pltpu.VMEM((NC0, CHUNK), jnp.int32),
        pltpu.VMEM((NC0, CHUNK), jnp.int32),
        pltpu.VMEM((CHUNK, HID), f32),
        pltpu.VMEM((CHUNK, HID), f32),
        pltpu.VMEM_SHARED((NP, HID), f32),
        pltpu.SemaphoreType.DMA,
        pltpu.SemaphoreType.DMA,
    ],
)(_agg_body)



BLK = 1264

_tc_params = pltpu.CompilerParams(dimension_semantics=("parallel",))


def _tc1_body(x_ref, w1_ref, wc_ref, bc_ref, h0_ref, cp_ref):
    xb = x_ref[...]
    h0_ref[...] = jnp.dot(xb, w1_ref[...], preferred_element_type=f32)
    cp_ref[...] = jnp.maximum(
        jnp.dot(xb, wc_ref[...], preferred_element_type=f32) + bc_ref[...], 0.0)


def _tc1_call(xp, W1, Wc, bc2):
    return pl.pallas_call(
        _tc1_body,
        grid=(NP // BLK,),
        in_specs=[
            pl.BlockSpec((BLK, IN), lambda i: (i, 0)),
            pl.BlockSpec((IN, HID), lambda i: (0, 0)),
            pl.BlockSpec((IN, LAT), lambda i: (0, 0)),
            pl.BlockSpec((1, LAT), lambda i: (0, 0)),
        ],
        out_specs=[
            pl.BlockSpec((BLK, HID), lambda i: (i, 0)),
            pl.BlockSpec((BLK, LAT), lambda i: (i, 0)),
        ],
        out_shape=[
            jax.ShapeDtypeStruct((NP, HID), f32),
            jax.ShapeDtypeStruct((NP, LAT), f32),
        ],
        compiler_params=_tc_params,
    )(xp, W1, Wc, bc2)


def _tc2_body(d0_ref, d1_ref, h0_ref, dinv_ref, hs0_ref):
    deg = jnp.maximum(d0_ref[:, :1] + d1_ref[:, :1] + 1.0, 1.0)
    dinv = 1.0 / jnp.sqrt(deg)
    dinv_ref[...] = dinv
    hs0_ref[...] = h0_ref[...] * dinv


def _tc2_call(degp, h0):
    return pl.pallas_call(
        _tc2_body,
        grid=(NP // BLK,),
        in_specs=[
            pl.BlockSpec((BLK, DEGW), lambda i: (i, 0)),
            pl.BlockSpec((BLK, DEGW), lambda i: (i + NP // BLK, 0)),
            pl.BlockSpec((BLK, HID), lambda i: (i, 0)),
        ],
        out_specs=[
            pl.BlockSpec((BLK, 1), lambda i: (i, 0)),
            pl.BlockSpec((BLK, HID), lambda i: (i, 0)),
        ],
        out_shape=[
            jax.ShapeDtypeStruct((NP, 1), f32),
            jax.ShapeDtypeStruct((NP, HID), f32),
        ],
        compiler_params=_tc_params,
    )(degp, degp, h0)


def _tc3_body(a0_ref, a1_ref, hs0_ref, dinv_ref, b1_ref, hs1_ref):
    dinv = dinv_ref[...]
    g1 = dinv * (a0_ref[...] + a1_ref[...] + hs0_ref[...]) + b1_ref[...]
    hs1_ref[...] = jnp.maximum(g1, 0.0) * dinv


def _tc3_call(acc, hs0, dinv, b12):
    return pl.pallas_call(
        _tc3_body,
        grid=(NP // BLK,),
        in_specs=[
            pl.BlockSpec((BLK, HID), lambda i: (i, 0)),
            pl.BlockSpec((BLK, HID), lambda i: (i + NP // BLK, 0)),
            pl.BlockSpec((BLK, HID), lambda i: (i, 0)),
            pl.BlockSpec((BLK, 1), lambda i: (i, 0)),
            pl.BlockSpec((1, HID), lambda i: (0, 0)),
        ],
        out_specs=pl.BlockSpec((BLK, HID), lambda i: (i, 0)),
        out_shape=jax.ShapeDtypeStruct((NP, HID), f32),
        compiler_params=_tc_params,
    )(acc, acc, hs0, dinv, b12)


def _tc4_body(q0_ref, q1_ref, hs1_ref, dinv_ref, cp_ref,
              wmu_ref, bmu_ref, wlv_ref, blv_ref, wf_ref, bf_ref,
              wl1_ref, bl1_ref, wl2_ref, bl2_ref,
              mu_ref, lv_ref, hc_ref, xp_ref, y_ref):
    g2 = dinv_ref[...] * (q0_ref[...] + q1_ref[...] + hs1_ref[...])
    mu = jnp.dot(g2, wmu_ref[...], preferred_element_type=f32) + bmu_ref[...]
    mu_ref[...] = mu
    lv_ref[...] = jnp.dot(g2, wlv_ref[...], preferred_element_type=f32) + blv_ref[...]
    hc_ref[...] = mu + cp_ref[...]
    xp_ref[...] = jnp.dot(mu, wf_ref[...], preferred_element_type=f32) + bf_ref[...]
    t = jnp.maximum(
        jnp.dot(mu, wl1_ref[...], preferred_element_type=f32) + bl1_ref[...], 0.0)
    y_ref[...] = jnp.dot(t, wl2_ref[...], preferred_element_type=f32) + bl2_ref[...]


def _tc4_call(q, hs1, dinv, cp, Wmu, bmu2, Wlv, blv2, Wf, bf2,
              Wl1, bl12, Wl2, bl22):
    row = lambda w: pl.BlockSpec((BLK, w), lambda i: (i, 0))
    full = lambda a, b: pl.BlockSpec((a, b), lambda i: (0, 0))
    return pl.pallas_call(
        _tc4_body,
        grid=(NP // BLK,),
        in_specs=[
            row(HID), pl.BlockSpec((BLK, HID), lambda i: (i + NP // BLK, 0)),
            row(HID), pl.BlockSpec((BLK, 1), lambda i: (i, 0)),
            row(LAT),
            full(HID, LAT), full(1, LAT), full(HID, LAT), full(1, LAT),
            full(LAT, FEAT), full(1, FEAT), full(LAT, HID), full(1, HID),
            full(HID, NC), full(1, NC),
        ],
        out_specs=[row(LAT), row(LAT), row(LAT), row(FEAT), row(NC)],
        out_shape=[
            jax.ShapeDtypeStruct((N, LAT), f32),
            jax.ShapeDtypeStruct((N, LAT), f32),
            jax.ShapeDtypeStruct((N, LAT), f32),
            jax.ShapeDtypeStruct((N, FEAT), f32),
            jax.ShapeDtypeStruct((N, NC), f32),
        ],
        compiler_params=_tc_params,
    )(q, q, hs1, dinv, cp, Wmu, bmu2, Wlv, blv2, Wf, bf2, Wl1, bl12, Wl2, bl22)


ABLK = 200


def _tc5_body(a_ref, b_ref, o_ref):
    prod = lax.dot_general(a_ref[...], b_ref[...],
                           (((1,), (1,)), ((), ())),
                           preferred_element_type=f32)
    o_ref[...] = jax.nn.sigmoid(prod)


def _tc5_call(hc):
    return pl.pallas_call(
        _tc5_body,
        grid=(N // ABLK,),
        in_specs=[
            pl.BlockSpec((ABLK, LAT), lambda i: (i, 0)),
            pl.BlockSpec((N, LAT), lambda i: (0, 0)),
        ],
        out_specs=pl.BlockSpec((ABLK, N), lambda i: (i, 0)),
        out_shape=jax.ShapeDtypeStruct((N, N), f32),
        compiler_params=_tc_params,
    )(hc, hc)



def kernel(x, edge_index, W1, b1, Wmu, bmu, Wlv, blv, Wc, bc, Wf, bf,
           Wl1, bl1, Wl2, bl2):
    xp = jnp.pad(x, ((0, NP - N), (0, 0)))
    pad = jnp.full((EP - E,), N, jnp.int32)
    srcp = jnp.concatenate([edge_index[0], pad]).reshape(TCHUNK, CHUNK)
    dstp = jnp.concatenate([edge_index[1], pad]).reshape(TCHUNK, CHUNK)
    zrows = jnp.zeros((RPT, HID), f32)
    zdeg = jnp.zeros((RPT, DEGW), f32)
    ones_deg = jnp.ones((CHUNK, DEGW), f32)

    degp = _deg_call(dstp, ones_deg, zdeg)
    h0, cpart = _tc1_call(xp, W1, Wc, bc.reshape(1, LAT))
    dinv, hs0 = _tc2_call(degp, h0)
    acc = _agg_call(hs0, srcp, dstp, zrows)
    hs1 = _tc3_call(acc, hs0, dinv, b1.reshape(1, HID))
    q = _agg_call(hs1, srcp, dstp, zrows)
    mu, lv, hc, xpred, y = _tc4_call(
        q, hs1, dinv, cpart,
        Wmu, bmu.reshape(1, LAT), Wlv, blv.reshape(1, LAT),
        Wf, bf.reshape(1, FEAT), Wl1, bl1.reshape(1, HID),
        Wl2, bl2.reshape(1, NC))
    A = _tc5_call(hc)
    return (mu, lv, mu, A, xpred, y)

# --- scband reference (transcript-rebuilt; emitter-appended) ---
"""Pipeline reference for scband-joint-vgae-54030688584368 (READ-ONLY COPY).

The authoritative reference and input builder live on the scoring server;
editing this copy changes nothing except your own understanding.
"""

import jax, jax.numpy as jnp
import numpy as np

N = 10000
IN = 128
HID = 128
LAT = 64
FEAT = 128
NC = 16
E = 160000


def _gcn_conv(x, edge_index, W, b):
    n = x.shape[0]
    src = edge_index[0]
    dst = edge_index[1]
    loop = jnp.arange(n, dtype=src.dtype)
    src = jnp.concatenate([src, loop])
    dst = jnp.concatenate([dst, loop])
    h = x @ W
    deg = jnp.zeros((n,), x.dtype).at[dst].add(1.0)
    dinv = 1.0 / jnp.sqrt(jnp.clip(deg, 1.0))
    norm = dinv[src] * dinv[dst]
    msgs = jnp.take(h, src, axis=0) * norm[:, None]
    out = jnp.zeros((n, h.shape[1]), h.dtype).at[dst].add(msgs)
    return out + b


def setup_inputs(seed: int = 0):
    key = jax.random.key(seed)
    ks = jax.random.split(key, 20)
    x = jax.random.normal(ks[0], (N, IN), jnp.float32)
    edge_index = jax.random.randint(ks[1], (2, E), 0, N, dtype=jnp.int32)
    def lin(k, fan_in, shape):
        return jax.random.uniform(k, shape, jnp.float32, -1.0, 1.0) / np.sqrt(fan_in)
    params = {
        'W1': lin(ks[2], IN, (IN, HID)), 'b1': lin(ks[3], IN, (HID,)),
        'Wmu': lin(ks[4], HID, (HID, LAT)), 'bmu': lin(ks[5], HID, (LAT,)),
        'Wlv': lin(ks[6], HID, (HID, LAT)), 'blv': lin(ks[7], HID, (LAT,)),
        'Wc': lin(ks[8], IN, (IN, LAT)), 'bc': lin(ks[9], IN, (LAT,)),
        'Wf': jax.random.normal(ks[10], (LAT, FEAT), jnp.float32) * 0.01,
        'bf': jnp.zeros((FEAT,), jnp.float32),
        'Wl1': lin(ks[11], LAT, (LAT, HID)), 'bl1': lin(ks[12], LAT, (HID,)),
        'Wl2': lin(ks[13], HID, (HID, NC)), 'bl2': lin(ks[14], HID, (NC,)),
    }
    return {'x': x, 'edge_index': edge_index, **params}


def reference(x, edge_index, W1, b1, Wmu, bmu, Wlv, blv, Wc, bc, Wf, bf, Wl1, bl1, Wl2, bl2):
    # Encoder (eval mode: dropout is identity)
    h = jax.nn.relu(_gcn_conv(x, edge_index, W1, b1))
    mu = _gcn_conv(h, edge_index, Wmu, bmu)
    logvar = _gcn_conv(h, edge_index, Wlv, blv)
    # reparameterize in eval mode -> z = mu
    z = mu
    # decode_adj
    hc = z + jax.nn.relu(x @ Wc + bc)
    A_pred = jax.nn.sigmoid(hc @ hc.T)
    # decode_feats
    X_pred = z @ Wf + bf
    # decode_labels
    Y_logits = jax.nn.relu(z @ Wl1 + bl1) @ Wl2 + bl2
    return (mu, logvar, z, A_pred, X_pred, Y_logits)

if __name__ == "__main__":
    import jax
    _d = setup_inputs()
    print(jax.jit(kernel)(*tuple(_d.values())))

</pallas_src>

<mosaic_0001>
#map = affine_map<(d0, d1) -> (0, 0)>
module attributes {stable_mosaic.version = 14 : i64} {
  func.func @_agg_body(%arg0: i32, %arg1: i32, %arg2: memref<10112x128xf32, #tpu.memory_space<hbm>>, %arg3: memref<1280x128xi32, #tpu.memory_space<hbm>>, %arg4: memref<1280x128xi32, #tpu.memory_space<hbm>>, %arg5: memref<632x128xf32, #tpu.memory_space<hbm>>, %arg6: memref<20224x128xf32, #tpu.memory_space<hbm>>, %arg7: memref<64x128xi32, #tpu.memory_space<vmem>>, %arg8: memref<64x128xi32, #tpu.memory_space<vmem>>, %arg9: memref<128x128xf32, #tpu.memory_space<vmem>>, %arg10: memref<128x128xf32, #tpu.memory_space<vmem>>, %arg11: memref<10112x128xf32, #tpu.memory_space<vmem_shared>>, %arg12: memref<!tpu.dma_semaphore, #tpu.memory_space<semaphore_mem>>, %arg13: memref<!tpu.dma_semaphore, #tpu.memory_space<semaphore_mem>>) attributes {dimension_semantics = [#tpu.dimension_semantics<core_parallel>, #tpu.dimension_semantics<subcore_parallel>], iteration_bounds = array<i64: 2, 16>, scalar_prefetch = 0 : i64, scratch_operands = 7 : i64, tpu.core_type = #tpu.core_type<sc_vector_subcore>, window_params = [{transform_indices = #map}, {transform_indices = #map}, {transform_indices = #map}, {transform_indices = #map}, {transform_indices = #map}]} {
    %mul3A = arith.constant 632 : i32
    %mul3A_0 = arith.muli %arg1, %mul3A : i32
    "tpu.region"() ({
      %run_scoped3A = tpu.sem_alloc : memref<!tpu.dma_semaphore, #tpu.memory_space<semaphore_mem>>
      %dma_start3A = arith.constant 0 : i32
      %dma_start3A_12 = tpu.memref_slice %arg11[%mul3A_0, %dma_start3A] : memref<10112x128xf32, #tpu.memory_space<vmem_shared>> -> memref<632x128xf32, #tpu.memory_space<vmem_shared>>
      tpu.enqueue_dma source(%arg5 : memref<632x128xf32, #tpu.memory_space<hbm>>) target(%dma_start3A_12 : memref<632x128xf32, #tpu.memory_space<vmem_shared>>) target_semaphore(%run_scoped3A : memref<!tpu.dma_semaphore, #tpu.memory_space<semaphore_mem>>)
      %dma_wait3A = arith.constant 0 : i32
      %dma_wait3A_13 = tpu.memref_slice %arg11[%mul3A_0, %dma_wait3A] : memref<10112x128xf32, #tpu.memory_space<vmem_shared>> -> memref<632x128xf32, #tpu.memory_space<vmem_shared>>
      tpu.wait_dma2 semaphore(%run_scoped3A : memref<!tpu.dma_semaphore, #tpu.memory_space<semaphore_mem>>) src(%arg5 : memref<632x128xf32, #tpu.memory_space<hbm>>) dst(%dma_wait3A_13 : memref<632x128xf32, #tpu.memory_space<vmem_shared>>)
      tpu.yield
    }) : () -> ()
    %eq3A = arith.constant 0 : i32
    %eq3A_1 = arith.cmpi eq, %arg0, %eq3A : i32
    %convert_element_type3A = arith.extui %eq3A_1 : i1 to i32
    %cond3A = arith.constant 0 : i32
    %cond3A_2 = arith.cmpi ne, %convert_element_type3A, %cond3A : i32
    scf.if %cond3A_2 {
      %mul3A_12 = arith.constant 64 : i32
      %mul3A_13 = arith.muli %arg1, %mul3A_12 : i32
      "tpu.region"() ({
        %run_scoped3A = tpu.sem_alloc : memref<!tpu.dma_semaphore, #tpu.memory_space<semaphore_mem>>
        %dma_start3A_33 = arith.constant 0 : i32
        %dma_start3A_34 = arith.constant 0 : i32
        %dma_start3A_35 = tpu.memref_slice %arg7[%dma_start3A_33, %dma_start3A_34] : memref<64x128xi32, #tpu.memory_space<vmem>> -> memref<64x128xi32, #tpu.memory_space<vmem>>
        %dma_start3A_36 = arith.constant 0 : i32
        %dma_start3A_37 = tpu.memref_slice %arg3[%mul3A_13, %dma_start3A_36] : memref<1280x128xi32, #tpu.memory_space<hbm>> -> memref<64x128xi32, #tpu.memory_space<hbm>>
        %dma_start3A_38 = arith.constant 0 : i32
        %dma_start3A_39 = arith.constant 0 : i32
        %dma_start3A_40 = tpu.memref_slice %arg7[%dma_start3A_38, %dma_start3A_39] : memref<64x128xi32, #tpu.memory_space<vmem>> -> memref<64x128xi32, #tpu.memory_space<vmem>>
        %dma_start3A_41 = arith.constant 0 : i32
        %dma_start3A_42 = tpu.memref_slice %arg3[%mul3A_13, %dma_start3A_41] : memref<1280x128xi32, #tpu.memory_space<hbm>> -> memref<64x128xi32, #tpu.memory_space<hbm>>
        tpu.enqueue_dma source(%dma_start3A_42 : memref<64x128xi32, #tpu.memory_space<hbm>>) target(%dma_start3A_40 : memref<64x128xi32, #tpu.memory_space<vmem>>) target_semaphore(%run_scoped3A : memref<!tpu.dma_semaphore, #tpu.memory_space<semaphore_mem>>)
        %dma_wait3A = arith.constant 0 : i32
        %dma_wait3A_43 = arith.constant 0 : i32
        %dma_wait3A_44 = tpu.memref_slice %arg7[%dma_wait3A, %dma_wait3A_43] : memref<64x128xi32, #tpu.memory_space<vmem>> -> memref<64x128xi32, #tpu.memory_space<vmem>>
        %dma_wait3A_45 = arith.constant 0 : i32
        %dma_wait3A_46 = tpu.memref_slice %arg3[%mul3A_13, %dma_wait3A_45] : memref<1280x128xi32, #tpu.memory_space<hbm>> -> memref<64x128xi32, #tpu.memory_space<hbm>>
        %dma_wait3A_47 = arith.constant 0 : i32
        %dma_wait3A_48 = arith.constant 0 : i32
        %dma_wait3A_49 = tpu.memref_slice %arg7[%dma_wait3A_47, %dma_wait3A_48] : memref<64x128xi32, #tpu.memory_space<vmem>> -> memref<64x128xi32, #tpu.memory_space<vmem>>
        %dma_wait3A_50 = arith.constant 0 : i32
        %dma_wait3A_51 = tpu.memref_slice %arg3[%mul3A_13, %dma_wait3A_50] : memref<1280x128xi32, #tpu.memory_space<hbm>> -> memref<64x128xi32, #tpu.memory_space<hbm>>
        tpu.wait_dma2 semaphore(%run_scoped3A : memref<!tpu.dma_semaphore, #tpu.memory_space<semaphore_mem>>) src(%dma_wait3A_51 : memref<64x128xi32, #tpu.memory_space<hbm>>) dst(%dma_wait3A_49 : memref<64x128xi32, #tpu.memory_space<vmem>>)
        tpu.yield
      }) : () -> ()
      "tpu.region"() ({
        %run_scoped3A = tpu.sem_alloc : memref<!tpu.dma_semaphore, #tpu.memory_space<semaphore_mem>>
        %dma_start3A_33 = arith.constant 0 : i32
        %dma_start3A_34 = arith.constant 0 : i32
        %dma_start3A_35 = tpu.memref_slice %arg8[%dma_start3A_33, %dma_start3A_34] : memref<64x128xi32, #tpu.memory_space<vmem>> -> memref<64x128xi32, #tpu.memory_space<vmem>>
        %dma_start3A_36 = arith.constant 0 : i32
        %dma_start3A_37 = tpu.memref_slice %arg4[%mul3A_13, %dma_start3A_36] : memref<1280x128xi32, #tpu.memory_space<hbm>> -> memref<64x128xi32, #tpu.memory_space<hbm>>
        %dma_start3A_38 = arith.constant 0 : i32
        %dma_start3A_39 = arith.constant 0 : i32
        %dma_start3A_40 = tpu.memref_slice %arg8[%dma_start3A_38, %dma_start3A_39] : memref<64x128xi32, #tpu.memory_space<vmem>> -> memref<64x128xi32, #tpu.memory_space<vmem>>
        %dma_start3A_41 = arith.constant 0 : i32
        %dma_start3A_42 = tpu.memref_slice %arg4[%mul3A_13, %dma_start3A_41] : memref<1280x128xi32, #tpu.memory_space<hbm>> -> memref<64x128xi32, #tpu.memory_space<hbm>>
        tpu.enqueue_dma source(%dma_start3A_42 : memref<64x128xi32, #tpu.memory_space<hbm>>) target(%dma_start3A_40 : memref<64x128xi32, #tpu.memory_space<vmem>>) target_semaphore(%run_scoped3A : memref<!tpu.dma_semaphore, #tpu.memory_space<semaphore_mem>>)
        %dma_wait3A = arith.constant 0 : i32
        %dma_wait3A_43 = arith.constant 0 : i32
        %dma_wait3A_44 = tpu.memref_slice %arg8[%dma_wait3A, %dma_wait3A_43] : memref<64x128xi32, #tpu.memory_space<vmem>> -> memref<64x128xi32, #tpu.memory_space<vmem>>
        %dma_wait3A_45 = arith.constant 0 : i32
        %dma_wait3A_46 = tpu.memref_slice %arg4[%mul3A_13, %dma_wait3A_45] : memref<1280x128xi32, #tpu.memory_space<hbm>> -> memref<64x128xi32, #tpu.memory_space<hbm>>
        %dma_wait3A_47 = arith.constant 0 : i32
        %dma_wait3A_48 = arith.constant 0 : i32
        %dma_wait3A_49 = tpu.memref_slice %arg8[%dma_wait3A_47, %dma_wait3A_48] : memref<64x128xi32, #tpu.memory_space<vmem>> -> memref<64x128xi32, #tpu.memory_space<vmem>>
        %dma_wait3A_50 = arith.constant 0 : i32
        %dma_wait3A_51 = tpu.memref_slice %arg4[%mul3A_13, %dma_wait3A_50] : memref<1280x128xi32, #tpu.memory_space<hbm>> -> memref<64x128xi32, #tpu.memory_space<hbm>>
        tpu.wait_dma2 semaphore(%run_scoped3A : memref<!tpu.dma_semaphore, #tpu.memory_space<semaphore_mem>>) src(%dma_wait3A_51 : memref<64x128xi32, #tpu.memory_space<hbm>>) dst(%dma_wait3A_49 : memref<64x128xi32, #tpu.memory_space<vmem>>)
        tpu.yield
      }) : () -> ()
      %barrier3A_14 = arith.constant 0 : index
      tpu.barrier barrier_id(%barrier3A_14)
      %dma_start3A = arith.constant 0 : i32
      %dma_start3A_15 = arith.constant 0 : i32
      %dma_start3A_16 = tpu.memref_slice %arg7[%dma_start3A, %dma_start3A_15] : memref<64x128xi32, #tpu.memory_space<vmem>> -> memref<1x128xi32, #tpu.memory_space<vmem>>
      %dma_start3A_17 = tpu.memref_squeeze %dma_start3A_16 : memref<1x128xi32, #tpu.memory_space<vmem>> -> memref<128xi32, #tpu.memory_space<vmem>>
      %dma_start3A_18 = arith.constant 0 : i32
      %dma_start3A_19 = arith.constant 0 : i32
      %dma_start3A_20 = tpu.memref_slice %arg2[%dma_start3A_18, %dma_start3A_19] : memref<10112x128xf32, #tpu.memory_space<hbm>> -> memref<10112x128xf32, #tpu.memory_space<hbm>>
      tpu.enqueue_indirect_dma source(%dma_start3A_20 : memref<10112x128xf32, #tpu.memory_space<hbm>>) target(%arg9 : memref<128x128xf32, #tpu.memory_space<vmem>>) offsets(%dma_start3A_17 : memref<128xi32, #tpu.memory_space<vmem>>) semaphore(%arg12 : memref<!tpu.dma_semaphore, #tpu.memory_space<semaphore_mem>>)
      %dma_start3A_21 = arith.constant 1 : i32
      %dma_start3A_22 = arith.constant 0 : i32
      %dma_start3A_23 = tpu.memref_slice %arg7[%dma_start3A_21, %dma_start3A_22] : memref<64x128xi32, #tpu.memory_space<vmem>> -> memref<1x128xi32, #tpu.memory_space<vmem>>
      %dma_start3A_24 = tpu.memref_squeeze %dma_start3A_23 : memref<1x128xi32, #tpu.memory_space<vmem>> -> memref<128xi32, #tpu.memory_space<vmem>>
      %dma_start3A_25 = arith.constant 0 : i32
      %dma_start3A_26 = arith.constant 0 : i32
      %dma_start3A_27 = tpu.memref_slice %arg2[%dma_start3A_25, %dma_start3A_26] : memref<10112x128xf32, #tpu.memory_space<hbm>> -> memref<10112x128xf32, #tpu.memory_space<hbm>>
      tpu.enqueue_indirect_dma source(%dma_start3A_27 : memref<10112x128xf32, #tpu.memory_space<hbm>>) target(%arg10 : memref<128x128xf32, #tpu.memory_space<vmem>>) offsets(%dma_start3A_24 : memref<128xi32, #tpu.memory_space<vmem>>) semaphore(%arg13 : memref<!tpu.dma_semaphore, #tpu.memory_space<semaphore_mem>>)
      %scan3A = arith.constant 0 : i32
      %scan3A_28 = arith.constant 0 : i32
      %scan3A_29 = arith.constant 32 : i32
      %scan3A_30 = arith.addi %scan3A_28, %scan3A_29 : i32
      %scan3A_31 = arith.constant 1 : i32
      scf.for %scan3A_33 = %scan3A_28 to %scan3A_30 step %scan3A_31  : i32 {
        %mul3A_34 = arith.constant 2 : i32
        %mul3A_35 = arith.muli %scan3A_33, %mul3A_34 : i32
        %add3A_36 = arith.constant 0 : i32
        %add3A_37 = arith.addi %mul3A_35, %add3A_36 : i32
        %dma_wait3A = arith.constant 0 : i32
        %dma_wait3A_38 = tpu.memref_slice %arg7[%add3A_37, %dma_wait3A] : memref<64x128xi32, #tpu.memory_space<vmem>> -> memref<1x128xi32, #tpu.memory_space<vmem>>
        %dma_wait3A_39 = tpu.memref_squeeze %dma_wait3A_38 : memref<1x128xi32, #tpu.memory_space<vmem>> -> memref<128xi32, #tpu.memory_space<vmem>>
        %dma_wait3A_40 = arith.constant 0 : i32
        %dma_wait3A_41 = arith.constant 0 : i32
        %dma_wait3A_42 = tpu.memref_slice %arg2[%dma_wait3A_40, %dma_wait3A_41] : memref<10112x128xf32, #tpu.memory_space<hbm>> -> memref<10112x128xf32, #tpu.memory_space<hbm>>
        tpu.wait_indirect_dma semaphore(%arg12 : memref<!tpu.dma_semaphore, #tpu.memory_space<semaphore_mem>>) src(%dma_wait3A_42 : memref<10112x128xf32, #tpu.memory_space<hbm>>) dst(%arg9 : memref<128x128xf32, #tpu.memory_space<vmem>>)
        "tpu.region"() ({
          %run_scoped3A = tpu.sem_alloc : memref<!tpu.dma_semaphore, #tpu.memory_space<semaphore_mem>>
          %dma_start3A_66 = arith.constant 0 : i32
          %dma_start3A_67 = tpu.memref_slice %arg8[%add3A_37, %dma_start3A_66] : memref<64x128xi32, #tpu.memory_space<vmem>> -> memref<1x128xi32, #tpu.memory_space<vmem>>
          %dma_start3A_68 = tpu.memref_squeeze %dma_start3A_67 : memref<1x128xi32, #tpu.memory_space<vmem>> -> memref<128xi32, #tpu.memory_space<vmem>>
          %dma_start3A_69 = arith.constant 0 : i32
          %dma_start3A_70 = arith.constant 0 : i32
          %dma_start3A_71 = tpu.memref_slice %arg11[%dma_start3A_69, %dma_start3A_70] : memref<10112x128xf32, #tpu.memory_space<vmem_shared>> -> memref<10112x128xf32, #tpu.memory_space<vmem_shared>>
          tpu.enqueue_indirect_dma source(%arg9 : memref<128x128xf32, #tpu.memory_space<vmem>>) target(%dma_start3A_71 : memref<10112x128xf32, #tpu.memory_space<vmem_shared>>) offsets(%dma_start3A_68 : memref<128xi32, #tpu.memory_space<vmem>>) semaphore(%run_scoped3A : memref<!tpu.dma_semaphore, #tpu.memory_space<semaphore_mem>>) {add = true}
          %dma_wait3A_72 = arith.constant 0 : i32
          %dma_wait3A_73 = tpu.memref_slice %arg8[%add3A_37, %dma_wait3A_72] : memref<64x128xi32, #tpu.memory_space<vmem>> -> memref<1x128xi32, #tpu.memory_space<vmem>>
          %dma_wait3A_74 = tpu.memref_squeeze %dma_wait3A_73 : memref<1x128xi32, #tpu.memory_space<vmem>> -> memref<128xi32, #tpu.memory_space<vmem>>
          %dma_wait3A_75 = arith.constant 0 : i32
          %dma_wait3A_76 = arith.constant 0 : i32
          %dma_wait3A_77 = tpu.memref_slice %arg11[%dma_wait3A_75, %dma_wait3A_76] : memref<10112x128xf32, #tpu.memory_space<vmem_shared>> -> memref<10112x128xf32, #tpu.memory_space<vmem_shared>>
          tpu.wait_indirect_dma semaphore(%run_scoped3A : memref<!tpu.dma_semaphore, #tpu.memory_space<semaphore_mem>>) src(%arg9 : memref<128x128xf32, #tpu.memory_space<vmem>>) dst(%dma_wait3A_77 : memref<10112x128xf32, #tpu.memory_space<vmem_shared>>)
          tpu.yield
        }) : () -> ()
        %add3A_43 = arith.constant 1 : i32
        %add3A_44 = arith.addi %scan3A_33, %add3A_43 : i32
        %lt3A = arith.constant 32 : i32
        %lt3A_45 = arith.cmpi slt, %add3A_44, %lt3A : i32
        %convert_element_type3A_46 = arith.extui %lt3A_45 : i1 to i32
        %cond3A_47 = arith.constant 0 : i32
        %cond3A_48 = arith.cmpi ne, %convert_element_type3A_46, %cond3A_47 : i32
        scf.if %cond3A_48 {
          %add3A_66 = arith.constant 2 : i32
          %add3A_67 = arith.addi %add3A_37, %add3A_66 : i32
          %dma_start3A_68 = arith.constant 0 : i32
          %dma_start3A_69 = tpu.memref_slice %arg7[%add3A_67, %dma_start3A_68] : memref<64x128xi32, #tpu.memory_space<vmem>> -> memref<1x128xi32, #tpu.memory_space<vmem>>
          %dma_start3A_70 = tpu.memref_squeeze %dma_start3A_69 : memref<1x128xi32, #tpu.memory_space<vmem>> -> memref<128xi32, #tpu.memory_space<vmem>>
          %dma_start3A_71 = arith.constant 0 : i32
          %dma_start3A_72 = arith.constant 0 : i32
          %dma_start3A_73 = tpu.memref_slice %arg2[%dma_start3A_71, %dma_start3A_72] : memref<10112x128xf32, #tpu.memory_space<hbm>> -> memref<10112x128xf32, #tpu.memory_space<hbm>>
          tpu.enqueue_indirect_dma source(%dma_start3A_73 : memref<10112x128xf32, #tpu.memory_space<hbm>>) target(%arg9 : memref<128x128xf32, #tpu.memory_space<vmem>>) offsets(%dma_start3A_70 : memref<128xi32, #tpu.memory_space<vmem>>) semaphore(%arg12 : memref<!tpu.dma_semaphore, #tpu.memory_space<semaphore_mem>>)
        } else {
        }
        %mul3A_49 = arith.constant 2 : i32
        %mul3A_50 = arith.muli %scan3A_33, %mul3A_49 : i32
        %add3A_51 = arith.constant 1 : i32
        %add3A_52 = arith.addi %mul3A_50, %add3A_51 : i32
        %dma_wait3A_53 = arith.constant 0 : i32
        %dma_wait3A_54 = tpu.memref_slice %arg7[%add3A_52, %dma_wait3A_53] : memref<64x128xi32, #tpu.memory_space<vmem>> -> memref<1x128xi32, #tpu.memory_space<vmem>>
        %dma_wait3A_55 = tpu.memref_squeeze %dma_wait3A_54 : memref<1x128xi32, #tpu.memory_space<vmem>> -> memref<128xi32, #tpu.memory_space<vmem>>
        %dma_wait3A_56 = arith.constant 0 : i32
        %dma_wait3A_57 = arith.constant 0 : i32
        %dma_wait3A_58 = tpu.memref_slice %arg2[%dma_wait3A_56, %dma_wait3A_57] : memref<10112x128xf32, #tpu.memory_space<hbm>> -> memref<10112x128xf32, #tpu.memory_space<hbm>>
        tpu.wait_indirect_dma semaphore(%arg13 : memref<!tpu.dma_semaphore, #tpu.memory_space<semaphore_mem>>) src(%dma_wait3A_58 : memref<10112x128xf32, #tpu.memory_space<hbm>>) dst(%arg10 : memref<128x128xf32, #tpu.memory_space<vmem>>)
        "tpu.region"() ({
          %run_scoped3A = tpu.sem_alloc : memref<!tpu.dma_semaphore, #tpu.memory_space<semaphore_mem>>
          %dma_start3A_66 = arith.constant 0 : i32
          %dma_start3A_67 = tpu.memref_slice %arg8[%add3A_52, %dma_start3A_66] : memref<64x128xi32, #tpu.memory_space<vmem>> -> memref<1x128xi32, #tpu.memory_space<vmem>>
          %dma_start3A_68 = tpu.memref_squeeze %dma_start3A_67 : memref<1x128xi32, #tpu.memory_space<vmem>> -> memref<128xi32, #tpu.memory_space<vmem>>
          %dma_start3A_69 = arith.constant 0 : i32
          %dma_start3A_70 = arith.constant 0 : i32
          %dma_start3A_71 = tpu.memref_slice %arg11[%dma_start3A_69, %dma_start3A_70] : memref<10112x128xf32, #tpu.memory_space<vmem_shared>> -> memref<10112x128xf32, #tpu.memory_space<vmem_shared>>
          tpu.enqueue_indirect_dma source(%arg10 : memref<128x128xf32, #tpu.memory_space<vmem>>) target(%dma_start3A_71 : memref<10112x128xf32, #tpu.memory_space<vmem_shared>>) offsets(%dma_start3A_68 : memref<128xi32, #tpu.memory_space<vmem>>) semaphore(%run_scoped3A : memref<!tpu.dma_semaphore, #tpu.memory_space<semaphore_mem>>) {add = true}
          %dma_wait3A_72 = arith.constant 0 : i32
          %dma_wait3A_73 = tpu.memref_slice %arg8[%add3A_52, %dma_wait3A_72] : memref<64x128xi32, #tpu.memory_space<vmem>> -> memref<1x128xi32, #tpu.memory_space<vmem>>
          %dma_wait3A_74 = tpu.memref_squeeze %dma_wait3A_73 : memref<1x128xi32, #tpu.memory_space<vmem>> -> memref<128xi32, #tpu.memory_space<vmem>>
          %dma_wait3A_75 = arith.constant 0 : i32
          %dma_wait3A_76 = arith.constant 0 : i32
          %dma_wait3A_77 = tpu.memref_slice %arg11[%dma_wait3A_75, %dma_wait3A_76] : memref<10112x128xf32, #tpu.memory_space<vmem_shared>> -> memref<10112x128xf32, #tpu.memory_space<vmem_shared>>
          tpu.wait_indirect_dma semaphore(%run_scoped3A : memref<!tpu.dma_semaphore, #tpu.memory_space<semaphore_mem>>) src(%arg10 : memref<128x128xf32, #tpu.memory_space<vmem>>) dst(%dma_wait3A_77 : memref<10112x128xf32, #tpu.memory_space<vmem_shared>>)
          tpu.yield
        }) : () -> ()
        %add3A_59 = arith.constant 1 : i32
        %add3A_60 = arith.addi %scan3A_33, %add3A_59 : i32
        %lt3A_61 = arith.constant 32 : i32
        %lt3A_62 = arith.cmpi slt, %add3A_60, %lt3A_61 : i32
        %convert_element_type3A_63 = arith.extui %lt3A_62 : i1 to i32
        %cond3A_64 = arith.constant 0 : i32
        %cond3A_65 = arith.cmpi ne, %convert_element_type3A_63, %cond3A_64 : i32
        scf.if %cond3A_65 {
          %add3A_66 = arith.constant 2 : i32
          %add3A_67 = arith.addi %add3A_52, %add3A_66 : i32
          %dma_start3A_68 = arith.constant 0 : i32
          %dma_start3A_69 = tpu.memref_slice %arg7[%add3A_67, %dma_start3A_68] : memref<64x128xi32, #tpu.memory_space<vmem>> -> memref<1x128xi32, #tpu.memory_space<vmem>>
          %dma_start3A_70 = tpu.memref_squeeze %dma_start3A_69 : memref<1x128xi32, #tpu.memory_space<vmem>> -> memref<128xi32, #tpu.memory_space<vmem>>
          %dma_start3A_71 = arith.constant 0 : i32
          %dma_start3A_72 = arith.constant 0 : i32
          %dma_start3A_73 = tpu.memref_slice %arg2[%dma_start3A_71, %dma_start3A_72] : memref<10112x128xf32, #tpu.memory_space<hbm>> -> memref<10112x128xf32, #tpu.memory_space<hbm>>
          tpu.enqueue_indirect_dma source(%dma_start3A_73 : memref<10112x128xf32, #tpu.memory_space<hbm>>) target(%arg10 : memref<128x128xf32, #tpu.memory_space<vmem>>) offsets(%dma_start3A_70 : memref<128xi32, #tpu.memory_space<vmem>>) semaphore(%arg13 : memref<!tpu.dma_semaphore, #tpu.memory_space<semaphore_mem>>)
        } else {
        }
      }
      %scan3A_32 = arith.constant 32 : i32
    } else {
    }
    %eq3A_3 = arith.constant 1 : i32
    %eq3A_4 = arith.cmpi eq, %arg0, %eq3A_3 : i32
    %convert_element_type3A_5 = arith.extui %eq3A_4 : i1 to i32
    %cond3A_6 = arith.constant 0 : i32
    %cond3A_7 = arith.cmpi ne, %convert_element_type3A_5, %cond3A_6 : i32
    scf.if %cond3A_7 {
      %mul3A_12 = arith.constant 16 : i32
      %mul3A_13 = arith.muli %arg1, %mul3A_12 : i32
      %add3A_14 = arith.constant 1024 : i32
      %add3A_15 = arith.addi %add3A_14, %mul3A_13 : i32
      "tpu.region"() ({
        %run_scoped3A = tpu.sem_alloc : memref<!tpu.dma_semaphore, #tpu.memory_space<semaphore_mem>>
        %dma_start3A_35 = arith.constant 0 : i32
        %dma_start3A_36 = arith.constant 0 : i32
        %dma_start3A_37 = tpu.memref_slice %arg7[%dma_start3A_35, %dma_start3A_36] : memref<64x128xi32, #tpu.memory_space<vmem>> -> memref<16x128xi32, #tpu.memory_space<vmem>>
        %dma_start3A_38 = arith.constant 0 : i32
        %dma_start3A_39 = tpu.memref_slice %arg3[%add3A_15, %dma_start3A_38] : memref<1280x128xi32, #tpu.memory_space<hbm>> -> memref<16x128xi32, #tpu.memory_space<hbm>>
        %dma_start3A_40 = arith.constant 0 : i32
        %dma_start3A_41 = arith.constant 0 : i32
        %dma_start3A_42 = tpu.memref_slice %arg7[%dma_start3A_40, %dma_start3A_41] : memref<64x128xi32, #tpu.memory_space<vmem>> -> memref<16x128xi32, #tpu.memory_space<vmem>>
        %dma_start3A_43 = arith.constant 0 : i32
        %dma_start3A_44 = tpu.memref_slice %arg3[%add3A_15, %dma_start3A_43] : memref<1280x128xi32, #tpu.memory_space<hbm>> -> memref<16x128xi32, #tpu.memory_space<hbm>>
        tpu.enqueue_dma source(%dma_start3A_44 : memref<16x128xi32, #tpu.memory_space<hbm>>) target(%dma_start3A_42 : memref<16x128xi32, #tpu.memory_space<vmem>>) target_semaphore(%run_scoped3A : memref<!tpu.dma_semaphore, #tpu.memory_space<semaphore_mem>>)
        %dma_wait3A = arith.constant 0 : i32
        %dma_wait3A_45 = arith.constant 0 : i32
        %dma_wait3A_46 = tpu.memref_slice %arg7[%dma_wait3A, %dma_wait3A_45] : memref<64x128xi32, #tpu.memory_space<vmem>> -> memref<16x128xi32, #tpu.memory_space<vmem>>
        %dma_wait3A_47 = arith.constant 0 : i32
        %dma_wait3A_48 = tpu.memref_slice %arg3[%add3A_15, %dma_wait3A_47] : memref<1280x128xi32, #tpu.memory_space<hbm>> -> memref<16x128xi32, #tpu.memory_space<hbm>>
        %dma_wait3A_49 = arith.constant 0 : i32
        %dma_wait3A_50 = arith.constant 0 : i32
        %dma_wait3A_51 = tpu.memref_slice %arg7[%dma_wait3A_49, %dma_wait3A_50] : memref<64x128xi32, #tpu.memory_space<vmem>> -> memref<16x128xi32, #tpu.memory_space<vmem>>
        %dma_wait3A_52 = arith.constant 0 : i32
        %dma_wait3A_53 = tpu.memref_slice %arg3[%add3A_15, %dma_wait3A_52] : memref<1280x128xi32, #tpu.memory_space<hbm>> -> memref<16x128xi32, #tpu.memory_space<hbm>>
        tpu.wait_dma2 semaphore(%run_scoped3A : memref<!tpu.dma_semaphore, #tpu.memory_space<semaphore_mem>>) src(%dma_wait3A_53 : memref<16x128xi32, #tpu.memory_space<hbm>>) dst(%dma_wait3A_51 : memref<16x128xi32, #tpu.memory_space<vmem>>)
        tpu.yield
      }) : () -> ()
      "tpu.region"() ({
        %run_scoped3A = tpu.sem_alloc : memref<!tpu.dma_semaphore, #tpu.memory_space<semaphore_mem>>
        %dma_start3A_35 = arith.constant 0 : i32
        %dma_start3A_36 = arith.constant 0 : i32
        %dma_start3A_37 = tpu.memref_slice %arg8[%dma_start3A_35, %dma_start3A_36] : memref<64x128xi32, #tpu.memory_space<vmem>> -> memref<16x128xi32, #tpu.memory_space<vmem>>
        %dma_start3A_38 = arith.constant 0 : i32
        %dma_start3A_39 = tpu.memref_slice %arg4[%add3A_15, %dma_start3A_38] : memref<1280x128xi32, #tpu.memory_space<hbm>> -> memref<16x128xi32, #tpu.memory_space<hbm>>
        %dma_start3A_40 = arith.constant 0 : i32
        %dma_start3A_41 = arith.constant 0 : i32
        %dma_start3A_42 = tpu.memref_slice %arg8[%dma_start3A_40, %dma_start3A_41] : memref<64x128xi32, #tpu.memory_space<vmem>> -> memref<16x128xi32, #tpu.memory_space<vmem>>
        %dma_start3A_43 = arith.constant 0 : i32
        %dma_start3A_44 = tpu.memref_slice %arg4[%add3A_15, %dma_start3A_43] : memref<1280x128xi32, #tpu.memory_space<hbm>> -> memref<16x128xi32, #tpu.memory_space<hbm>>
        tpu.enqueue_dma source(%dma_start3A_44 : memref<16x128xi32, #tpu.memory_space<hbm>>) target(%dma_start3A_42 : memref<16x128xi32, #tpu.memory_space<vmem>>) target_semaphore(%run_scoped3A : memref<!tpu.dma_semaphore, #tpu.memory_space<semaphore_mem>>)
        %dma_wait3A = arith.constant 0 : i32
        %dma_wait3A_45 = arith.constant 0 : i32
        %dma_wait3A_46 = tpu.memref_slice %arg8[%dma_wait3A, %dma_wait3A_45] : memref<64x128xi32, #tpu.memory_space<vmem>> -> memref<16x128xi32, #tpu.memory_space<vmem>>
        %dma_wait3A_47 = arith.constant 0 : i32
        %dma_wait3A_48 = tpu.memref_slice %arg4[%add3A_15, %dma_wait3A_47] : memref<1280x128xi32, #tpu.memory_space<hbm>> -> memref<16x128xi32, #tpu.memory_space<hbm>>
        %dma_wait3A_49 = arith.constant 0 : i32
        %dma_wait3A_50 = arith.constant 0 : i32
        %dma_wait3A_51 = tpu.memref_slice %arg8[%dma_wait3A_49, %dma_wait3A_50] : memref<64x128xi32, #tpu.memory_space<vmem>> -> memref<16x128xi32, #tpu.memory_space<vmem>>
        %dma_wait3A_52 = arith.constant 0 : i32
        %dma_wait3A_53 = tpu.memref_slice %arg4[%add3A_15, %dma_wait3A_52] : memref<1280x128xi32, #tpu.memory_space<hbm>> -> memref<16x128xi32, #tpu.memory_space<hbm>>
        tpu.wait_dma2 semaphore(%run_scoped3A : memref<!tpu.dma_semaphore, #tpu.memory_space<semaphore_mem>>) src(%dma_wait3A_53 : memref<16x128xi32, #tpu.memory_space<hbm>>) dst(%dma_wait3A_51 : memref<16x128xi32, #tpu.memory_space<vmem>>)
        tpu.yield
      }) : () -> ()
      %barrier3A_16 = arith.constant 0 : index
      tpu.barrier barrier_id(%barrier3A_16)
      %dma_start3A = arith.constant 0 : i32
      %dma_start3A_17 = arith.constant 0 : i32
      %dma_start3A_18 = tpu.memref_slice %arg7[%dma_start3A, %dma_start3A_17] : memref<64x128xi32, #tpu.memory_space<vmem>> -> memref<1x128xi32, #tpu.memory_space<vmem>>
      %dma_start3A_19 = tpu.memref_squeeze %dma_start3A_18 : memref<1x128xi32, #tpu.memory_space<vmem>> -> memref<128xi32, #tpu.memory_space<vmem>>
      %dma_start3A_20 = arith.constant 0 : i32
      %dma_start3A_21 = arith.constant 0 : i32
      %dma_start3A_22 = tpu.memref_slice %arg2[%dma_start3A_20, %dma_start3A_21] : memref<10112x128xf32, #tpu.memory_space<hbm>> -> memref<10112x128xf32, #tpu.memory_space<hbm>>
      tpu.enqueue_indirect_dma source(%dma_start3A_22 : memref<10112x128xf32, #tpu.memory_space<hbm>>) target(%arg9 : memref<128x128xf32, #tpu.memory_space<vmem>>) offsets(%dma_start3A_19 : memref<128xi32, #tpu.memory_space<vmem>>) semaphore(%arg12 : memref<!tpu.dma_semaphore, #tpu.memory_space<semaphore_mem>>)
      %dma_start3A_23 = arith.constant 1 : i32
      %dma_start3A_24 = arith.constant 0 : i32
      %dma_start3A_25 = tpu.memref_slice %arg7[%dma_start3A_23, %dma_start3A_24] : memref<64x128xi32, #tpu.memory_space<vmem>> -> memref<1x128xi32, #tpu.memory_space<vmem>>
      %dma_start3A_26 = tpu.memref_squeeze %dma_start3A_25 : memref<1x128xi32, #tpu.memory_space<vmem>> -> memref<128xi32, #tpu.memory_space<vmem>>
      %dma_start3A_27 = arith.constant 0 : i32
      %dma_start3A_28 = arith.constant 0 : i32
      %dma_start3A_29 = tpu.memref_slice %arg2[%dma_start3A_27, %dma_start3A_28] : memref<10112x128xf32, #tpu.memory_space<hbm>> -> memref<10112x128xf32, #tpu.memory_space<hbm>>
      tpu.enqueue_indirect_dma source(%dma_start3A_29 : memref<10112x128xf32, #tpu.memory_space<hbm>>) target(%arg10 : memref<128x128xf32, #tpu.memory_space<vmem>>) offsets(%dma_start3A_26 : memref<128xi32, #tpu.memory_space<vmem>>) semaphore(%arg13 : memref<!tpu.dma_semaphore, #tpu.memory_space<semaphore_mem>>)
      %scan3A = arith.constant 0 : i32
      %scan3A_30 = arith.constant 0 : i32
      %scan3A_31 = arith.constant 8 : i32
      %scan3A_32 = arith.addi %scan3A_30, %scan3A_31 : i32
      %scan3A_33 = arith.constant 1 : i32
      scf.for %scan3A_35 = %scan3A_30 to %scan3A_32 step %scan3A_33  : i32 {
        %mul3A_36 = arith.constant 2 : i32
        %mul3A_37 = arith.muli %scan3A_35, %mul3A_36 : i32
        %add3A_38 = arith.constant 0 : i32
        %add3A_39 = arith.addi %mul3A_37, %add3A_38 : i32
        %dma_wait3A = arith.constant 0 : i32
        %dma_wait3A_40 = tpu.memref_slice %arg7[%add3A_39, %dma_wait3A] : memref<64x128xi32, #tpu.memory_space<vmem>> -> memref<1x128xi32, #tpu.memory_space<vmem>>
        %dma_wait3A_41 = tpu.memref_squeeze %dma_wait3A_40 : memref<1x128xi32, #tpu.memory_space<vmem>> -> memref<128xi32, #tpu.memory_space<vmem>>
        %dma_wait3A_42 = arith.constant 0 : i32
        %dma_wait3A_43 = arith.constant 0 : i32
        %dma_wait3A_44 = tpu.memref_slice %arg2[%dma_wait3A_42, %dma_wait3A_43] : memref<10112x128xf32, #tpu.memory_space<hbm>> -> memref<10112x128xf32, #tpu.memory_space<hbm>>
        tpu.wait_indirect_dma semaphore(%arg12 : memref<!tpu.dma_semaphore, #tpu.memory_space<semaphore_mem>>) src(%dma_wait3A_44 : memref<10112x128xf32, #tpu.memory_space<hbm>>) dst(%arg9 : memref<128x128xf32, #tpu.memory_space<vmem>>)
        "tpu.region"() ({
          %run_scoped3A = tpu.sem_alloc : memref<!tpu.dma_semaphore, #tpu.memory_space<semaphore_mem>>
          %dma_start3A_68 = arith.constant 0 : i32
          %dma_start3A_69 = tpu.memref_slice %arg8[%add3A_39, %dma_start3A_68] : memref<64x128xi32, #tpu.memory_space<vmem>> -> memref<1x128xi32, #tpu.memory_space<vmem>>
          %dma_start3A_70 = tpu.memref_squeeze %dma_start3A_69 : memref<1x128xi32, #tpu.memory_space<vmem>> -> memref<128xi32, #tpu.memory_space<vmem>>
          %dma_start3A_71 = arith.constant 0 : i32
          %dma_start3A_72 = arith.constant 0 : i32
          %dma_start3A_73 = tpu.memref_slice %arg11[%dma_start3A_71, %dma_start3A_72] : memref<10112x128xf32, #tpu.memory_space<vmem_shared>> -> memref<10112x128xf32, #tpu.memory_space<vmem_shared>>
          tpu.enqueue_indirect_dma source(%arg9 : memref<128x128xf32, #tpu.memory_space<vmem>>) target(%dma_start3A_73 : memref<10112x128xf32, #tpu.memory_space<vmem_shared>>) offsets(%dma_start3A_70 : memref<128xi32, #tpu.memory_space<vmem>>) semaphore(%run_scoped3A : memref<!tpu.dma_semaphore, #tpu.memory_space<semaphore_mem>>) {add = true}
          %dma_wait3A_74 = arith.constant 0 : i32
          %dma_wait3A_75 = tpu.memref_slice %arg8[%add3A_39, %dma_wait3A_74] : memref<64x128xi32, #tpu.memory_space<vmem>> -> memref<1x128xi32, #tpu.memory_space<vmem>>
          %dma_wait3A_76 = tpu.memref_squeeze %dma_wait3A_75 : memref<1x128xi32, #tpu.memory_space<vmem>> -> memref<128xi32, #tpu.memory_space<vmem>>
          %dma_wait3A_77 = arith.constant 0 : i32
          %dma_wait3A_78 = arith.constant 0 : i32
          %dma_wait3A_79 = tpu.memref_slice %arg11[%dma_wait3A_77, %dma_wait3A_78] : memref<10112x128xf32, #tpu.memory_space<vmem_shared>> -> memref<10112x128xf32, #tpu.memory_space<vmem_shared>>
          tpu.wait_indirect_dma semaphore(%run_scoped3A : memref<!tpu.dma_semaphore, #tpu.memory_space<semaphore_mem>>) src(%arg9 : memref<128x128xf32, #tpu.memory_space<vmem>>) dst(%dma_wait3A_79 : memref<10112x128xf32, #tpu.memory_space<vmem_shared>>)
          tpu.yield
        }) : () -> ()
        %add3A_45 = arith.constant 1 : i32
        %add3A_46 = arith.addi %scan3A_35, %add3A_45 : i32
        %lt3A = arith.constant 8 : i32
        %lt3A_47 = arith.cmpi slt, %add3A_46, %lt3A : i32
        %convert_element_type3A_48 = arith.extui %lt3A_47 : i1 to i32
        %cond3A_49 = arith.constant 0 : i32
        %cond3A_50 = arith.cmpi ne, %convert_element_type3A_48, %cond3A_49 : i32
        scf.if %cond3A_50 {
          %add3A_68 = arith.constant 2 : i32
          %add3A_69 = arith.addi %add3A_39, %add3A_68 : i32
          %dma_start3A_70 = arith.constant 0 : i32
          %dma_start3A_71 = tpu.memref_slice %arg7[%add3A_69, %dma_start3A_70] : memref<64x128xi32, #tpu.memory_space<vmem>> -> memref<1x128xi32, #tpu.memory_space<vmem>>
          %dma_start3A_72 = tpu.memref_squeeze %dma_start3A_71 : memref<1x128xi32, #tpu.memory_space<vmem>> -> memref<128xi32, #tpu.memory_space<vmem>>
          %dma_start3A_73 = arith.constant 0 : i32
          %dma_start3A_74 = arith.constant 0 : i32
          %dma_start3A_75 = tpu.memref_slice %arg2[%dma_start3A_73, %dma_start3A_74] : memref<10112x128xf32, #tpu.memory_space<hbm>> -> memref<10112x128xf32, #tpu.memory_space<hbm>>
          tpu.enqueue_indirect_dma source(%dma_start3A_75 : memref<10112x128xf32, #tpu.memory_space<hbm>>) target(%arg9 : memref<128x128xf32, #tpu.memory_space<vmem>>) offsets(%dma_start3A_72 : memref<128xi32, #tpu.memory_space<vmem>>) semaphore(%arg12 : memref<!tpu.dma_semaphore, #tpu.memory_space<semaphore_mem>>)
        } else {
        }
        %mul3A_51 = arith.constant 2 : i32
        %mul3A_52 = arith.muli %scan3A_35, %mul3A_51 : i32
        %add3A_53 = arith.constant 1 : i32
        %add3A_54 = arith.addi %mul3A_52, %add3A_53 : i32
        %dma_wait3A_55 = arith.constant 0 : i32
        %dma_wait3A_56 = tpu.memref_slice %arg7[%add3A_54, %dma_wait3A_55] : memref<64x128xi32, #tpu.memory_space<vmem>> -> memref<1x128xi32, #tpu.memory_space<vmem>>
        %dma_wait3A_57 = tpu.memref_squeeze %dma_wait3A_56 : memref<1x128xi32, #tpu.memory_space<vmem>> -> memref<128xi32, #tpu.memory_space<vmem>>
        %dma_wait3A_58 = arith.constant 0 : i32
        %dma_wait3A_59 = arith.constant 0 : i32
        %dma_wait3A_60 = tpu.memref_slice %arg2[%dma_wait3A_58, %dma_wait3A_59] : memref<10112x128xf32, #tpu.memory_space<hbm>> -> memref<10112x128xf32, #tpu.memory_space<hbm>>
        tpu.wait_indirect_dma semaphore(%arg13 : memref<!tpu.dma_semaphore, #tpu.memory_space<semaphore_mem>>) src(%dma_wait3A_60 : memref<10112x128xf32, #tpu.memory_space<hbm>>) dst(%arg10 : memref<128x128xf32, #tpu.memory_space<vmem>>)
        "tpu.region"() ({
          %run_scoped3A = tpu.sem_alloc : memref<!tpu.dma_semaphore, #tpu.memory_space<semaphore_mem>>
          %dma_start3A_68 = arith.constant 0 : i32
          %dma_start3A_69 = tpu.memref_slice %arg8[%add3A_54, %dma_start3A_68] : memref<64x128xi32, #tpu.memory_space<vmem>> -> memref<1x128xi32, #tpu.memory_space<vmem>>
          %dma_start3A_70 = tpu.memref_squeeze %dma_start3A_69 : memref<1x128xi32, #tpu.memory_space<vmem>> -> memref<128xi32, #tpu.memory_space<vmem>>
          %dma_start3A_71 = arith.constant 0 : i32
          %dma_start3A_72 = arith.constant 0 : i32
          %dma_start3A_73 = tpu.memref_slice %arg11[%dma_start3A_71, %dma_start3A_72] : memref<10112x128xf32, #tpu.memory_space<vmem_shared>> -> memref<10112x128xf32, #tpu.memory_space<vmem_shared>>
          tpu.enqueue_indirect_dma source(%arg10 : memref<128x128xf32, #tpu.memory_space<vmem>>) target(%dma_start3A_73 : memref<10112x128xf32, #tpu.memory_space<vmem_shared>>) offsets(%dma_start3A_70 : memref<128xi32, #tpu.memory_space<vmem>>) semaphore(%run_scoped3A : memref<!tpu.dma_semaphore, #tpu.memory_space<semaphore_mem>>) {add = true}
          %dma_wait3A_74 = arith.constant 0 : i32
          %dma_wait3A_75 = tpu.memref_slice %arg8[%add3A_54, %dma_wait3A_74] : memref<64x128xi32, #tpu.memory_space<vmem>> -> memref<1x128xi32, #tpu.memory_space<vmem>>
          %dma_wait3A_76 = tpu.memref_squeeze %dma_wait3A_75 : memref<1x128xi32, #tpu.memory_space<vmem>> -> memref<128xi32, #tpu.memory_space<vmem>>
          %dma_wait3A_77 = arith.constant 0 : i32
          %dma_wait3A_78 = arith.constant 0 : i32
          %dma_wait3A_79 = tpu.memref_slice %arg11[%dma_wait3A_77, %dma_wait3A_78] : memref<10112x128xf32, #tpu.memory_space<vmem_shared>> -> memref<10112x128xf32, #tpu.memory_space<vmem_shared>>
          tpu.wait_indirect_dma semaphore(%run_scoped3A : memref<!tpu.dma_semaphore, #tpu.memory_space<semaphore_mem>>) src(%arg10 : memref<128x128xf32, #tpu.memory_space<vmem>>) dst(%dma_wait3A_79 : memref<10112x128xf32, #tpu.memory_space<vmem_shared>>)
          tpu.yield
        }) : () -> ()
        %add3A_61 = arith.constant 1 : i32
        %add3A_62 = arith.addi %scan3A_35, %add3A_61 : i32
        %lt3A_63 = arith.constant 8 : i32
        %lt3A_64 = arith.cmpi slt, %add3A_62, %lt3A_63 : i32
        %convert_element_type3A_65 = arith.extui %lt3A_64 : i1 to i32
        %cond3A_66 = arith.constant 0 : i32
        %cond3A_67 = arith.cmpi ne, %convert_element_type3A_65, %cond3A_66 : i32
        scf.if %cond3A_67 {
          %add3A_68 = arith.constant 2 : i32
          %add3A_69 = arith.addi %add3A_54, %add3A_68 : i32
          %dma_start3A_70 = arith.constant 0 : i32
          %dma_start3A_71 = tpu.memref_slice %arg7[%add3A_69, %dma_start3A_70] : memref<64x128xi32, #tpu.memory_space<vmem>> -> memref<1x128xi32, #tpu.memory_space<vmem>>
          %dma_start3A_72 = tpu.memref_squeeze %dma_start3A_71 : memref<1x128xi32, #tpu.memory_space<vmem>> -> memref<128xi32, #tpu.memory_space<vmem>>
          %dma_start3A_73 = arith.constant 0 : i32
          %dma_start3A_74 = arith.constant 0 : i32
          %dma_start3A_75 = tpu.memref_slice %arg2[%dma_start3A_73, %dma_start3A_74] : memref<10112x128xf32, #tpu.memory_space<hbm>> -> memref<10112x128xf32, #tpu.memory_space<hbm>>
          tpu.enqueue_indirect_dma source(%dma_start3A_75 : memref<10112x128xf32, #tpu.memory_space<hbm>>) target(%arg10 : memref<128x128xf32, #tpu.memory_space<vmem>>) offsets(%dma_start3A_72 : memref<128xi32, #tpu.memory_space<vmem>>) semaphore(%arg13 : memref<!tpu.dma_semaphore, #tpu.memory_space<semaphore_mem>>)
        } else {
        }
      }
      %scan3A_34 = arith.constant 8 : i32
    } else {
    }
    %barrier3A = arith.constant 0 : index
    tpu.barrier barrier_id(%barrier3A)
    %mul3A_8 = arith.constant 10112 : i32
    %mul3A_9 = arith.muli %arg0, %mul3A_8 : i32
    %mul3A_10 = arith.constant 632 : i32
    %mul3A_11 = arith.muli %arg1, %mul3A_10 : i32
    %add3A = arith.addi %mul3A_9, %mul3A_11 : i32
    "tpu.region"() ({
      %run_scoped3A = tpu.sem_alloc : memref<!tpu.dma_semaphore, #tpu.memory_space<semaphore_mem>>
      %dma_start3A = arith.constant 0 : i32
      %dma_start3A_12 = tpu.memref_slice %arg6[%add3A, %dma_start3A] : memref<20224x128xf32, #tpu.memory_space<hbm>> -> memref<632x128xf32, #tpu.memory_space<hbm>>
      %dma_start3A_13 = arith.constant 0 : i32
      %dma_start3A_14 = tpu.memref_slice %arg11[%mul3A_0, %dma_start3A_13] : memref<10112x128xf32, #tpu.memory_space<vmem_shared>> -> memref<632x128xf32, #tpu.memory_space<vmem_shared>>
      tpu.enqueue_dma source(%dma_start3A_14 : memref<632x128xf32, #tpu.memory_space<vmem_shared>>) target(%dma_start3A_12 : memref<632x128xf32, #tpu.memory_space<hbm>>) target_semaphore(%run_scoped3A : memref<!tpu.dma_semaphore, #tpu.memory_space<semaphore_mem>>)
      %dma_wait3A = arith.constant 0 : i32
      %dma_wait3A_15 = tpu.memref_slice %arg6[%add3A, %dma_wait3A] : memref<20224x128xf32, #tpu.memory_space<hbm>> -> memref<632x128xf32, #tpu.memory_space<hbm>>
      %dma_wait3A_16 = arith.constant 0 : i32
      %dma_wait3A_17 = tpu.memref_slice %arg11[%mul3A_0, %dma_wait3A_16] : memref<10112x128xf32, #tpu.memory_space<vmem_shared>> -> memref<632x128xf32, #tpu.memory_space<vmem_shared>>
      tpu.wait_dma2 semaphore(%run_scoped3A : memref<!tpu.dma_semaphore, #tpu.memory_space<semaphore_mem>>) src(%dma_wait3A_17 : memref<632x128xf32, #tpu.memory_space<vmem_shared>>) dst(%dma_wait3A_15 : memref<632x128xf32, #tpu.memory_space<hbm>>)
      tpu.yield
    }) : () -> ()
    return
  }
}

#map = affine_map<(d0, d1) -> (0, 0)>
module attributes {stable_mosaic.version = 14 : i64} {
  func.func @_deg_body(%arg0: i32, %arg1: i32, %arg2: memref<1280x128xi32, #tpu.memory_space<hbm>>, %arg3: memref<128x128xf32, #tpu.memory_space<hbm>>, %arg4: memref<632x128xf32, #tpu.memory_space<hbm>>, %arg5: memref<20224x128xf32, #tpu.memory_space<hbm>>, %arg6: memref<40x128xi32, #tpu.memory_space<vmem>>, %arg7: memref<128x128xf32, #tpu.memory_space<vmem>>, %arg8: memref<10112x128xf32, #tpu.memory_space<vmem_shared>>) attributes {dimension_semantics = [#tpu.dimension_semantics<core_parallel>, #tpu.dimension_semantics<subcore_parallel>], iteration_bounds = array<i64: 2, 16>, scalar_prefetch = 0 : i64, scratch_operands = 3 : i64, tpu.core_type = #tpu.core_type<sc_vector_subcore>, window_params = [{transform_indices = #map}, {transform_indices = #map}, {transform_indices = #map}, {transform_indices = #map}]} {
    %mul3A = arith.constant 16 : i32
    %mul3A_0 = arith.muli %arg0, %mul3A : i32
    %add3A = arith.addi %mul3A_0, %arg1 : i32
    %mul3A_1 = arith.constant 632 : i32
    %mul3A_2 = arith.muli %arg1, %mul3A_1 : i32
    "tpu.region"() ({
      %run_scoped3A = tpu.sem_alloc : memref<!tpu.dma_semaphore, #tpu.memory_space<semaphore_mem>>
      %dma_start3A = arith.constant 0 : i32
      %dma_start3A_16 = tpu.memref_slice %arg8[%mul3A_2, %dma_start3A] : memref<10112x128xf32, #tpu.memory_space<vmem_shared>> -> memref<632x128xf32, #tpu.memory_space<vmem_shared>>
      tpu.enqueue_dma source(%arg4 : memref<632x128xf32, #tpu.memory_space<hbm>>) target(%dma_start3A_16 : memref<632x128xf32, #tpu.memory_space<vmem_shared>>) target_semaphore(%run_scoped3A : memref<!tpu.dma_semaphore, #tpu.memory_space<semaphore_mem>>)
      %dma_wait3A = arith.constant 0 : i32
      %dma_wait3A_17 = tpu.memref_slice %arg8[%mul3A_2, %dma_wait3A] : memref<10112x128xf32, #tpu.memory_space<vmem_shared>> -> memref<632x128xf32, #tpu.memory_space<vmem_shared>>
      tpu.wait_dma2 semaphore(%run_scoped3A : memref<!tpu.dma_semaphore, #tpu.memory_space<semaphore_mem>>) src(%arg4 : memref<632x128xf32, #tpu.memory_space<hbm>>) dst(%dma_wait3A_17 : memref<632x128xf32, #tpu.memory_space<vmem_shared>>)
      tpu.yield
    }) : () -> ()
    "tpu.region"() ({
      %run_scoped3A = tpu.sem_alloc : memref<!tpu.dma_semaphore, #tpu.memory_space<semaphore_mem>>
      tpu.enqueue_dma source(%arg3 : memref<128x128xf32, #tpu.memory_space<hbm>>) target(%arg7 : memref<128x128xf32, #tpu.memory_space<vmem>>) target_semaphore(%run_scoped3A : memref<!tpu.dma_semaphore, #tpu.memory_space<semaphore_mem>>)
      tpu.wait_dma2 semaphore(%run_scoped3A : memref<!tpu.dma_semaphore, #tpu.memory_space<semaphore_mem>>) src(%arg3 : memref<128x128xf32, #tpu.memory_space<hbm>>) dst(%arg7 : memref<128x128xf32, #tpu.memory_space<vmem>>)
      tpu.yield
    }) : () -> ()
    %mul3A_3 = arith.constant 40 : i32
    %mul3A_4 = arith.muli %add3A, %mul3A_3 : i32
    "tpu.region"() ({
      %run_scoped3A = tpu.sem_alloc : memref<!tpu.dma_semaphore, #tpu.memory_space<semaphore_mem>>
      %dma_start3A = arith.constant 0 : i32
      %dma_start3A_16 = tpu.memref_slice %arg2[%mul3A_4, %dma_start3A] : memref<1280x128xi32, #tpu.memory_space<hbm>> -> memref<40x128xi32, #tpu.memory_space<hbm>>
      %dma_start3A_17 = arith.constant 0 : i32
      %dma_start3A_18 = tpu.memref_slice %arg2[%mul3A_4, %dma_start3A_17] : memref<1280x128xi32, #tpu.memory_space<hbm>> -> memref<40x128xi32, #tpu.memory_space<hbm>>
      tpu.enqueue_dma source(%dma_start3A_18 : memref<40x128xi32, #tpu.memory_space<hbm>>) target(%arg6 : memref<40x128xi32, #tpu.memory_space<vmem>>) target_semaphore(%run_scoped3A : memref<!tpu.dma_semaphore, #tpu.memory_space<semaphore_mem>>)
      %dma_wait3A = arith.constant 0 : i32
      %dma_wait3A_19 = tpu.memref_slice %arg2[%mul3A_4, %dma_wait3A] : memref<1280x128xi32, #tpu.memory_space<hbm>> -> memref<40x128xi32, #tpu.memory_space<hbm>>
      %dma_wait3A_20 = arith.constant 0 : i32
      %dma_wait3A_21 = tpu.memref_slice %arg2[%mul3A_4, %dma_wait3A_20] : memref<1280x128xi32, #tpu.memory_space<hbm>> -> memref<40x128xi32, #tpu.memory_space<hbm>>
      tpu.wait_dma2 semaphore(%run_scoped3A : memref<!tpu.dma_semaphore, #tpu.memory_space<semaphore_mem>>) src(%dma_wait3A_21 : memref<40x128xi32, #tpu.memory_space<hbm>>) dst(%arg6 : memref<40x128xi32, #tpu.memory_space<vmem>>)
      tpu.yield
    }) : () -> ()
    %barrier3A = arith.constant 0 : index
    tpu.barrier barrier_id(%barrier3A)
    %scan3A = arith.constant 0 : i32
    %scan3A_5 = arith.constant 0 : i32
    %scan3A_6 = arith.constant 40 : i32
    %scan3A_7 = arith.addi %scan3A_5, %scan3A_6 : i32
    %scan3A_8 = arith.constant 1 : i32
    scf.for %scan3A_16 = %scan3A_5 to %scan3A_7 step %scan3A_8  : i32 {
      "tpu.region"() ({
        %run_scoped3A = tpu.sem_alloc : memref<!tpu.dma_semaphore, #tpu.memory_space<semaphore_mem>>
        %dma_start3A = arith.constant 0 : i32
        %dma_start3A_17 = tpu.memref_slice %arg6[%scan3A_16, %dma_start3A] : memref<40x128xi32, #tpu.memory_space<vmem>> -> memref<1x128xi32, #tpu.memory_space<vmem>>
        %dma_start3A_18 = tpu.memref_squeeze %dma_start3A_17 : memref<1x128xi32, #tpu.memory_space<vmem>> -> memref<128xi32, #tpu.memory_space<vmem>>
        %dma_start3A_19 = arith.constant 0 : i32
        %dma_start3A_20 = arith.constant 0 : i32
        %dma_start3A_21 = tpu.memref_slice %arg8[%dma_start3A_19, %dma_start3A_20] : memref<10112x128xf32, #tpu.memory_space<vmem_shared>> -> memref<10112x128xf32, #tpu.memory_space<vmem_shared>>
        tpu.enqueue_indirect_dma source(%arg7 : memref<128x128xf32, #tpu.memory_space<vmem>>) target(%dma_start3A_21 : memref<10112x128xf32, #tpu.memory_space<vmem_shared>>) offsets(%dma_start3A_18 : memref<128xi32, #tpu.memory_space<vmem>>) semaphore(%run_scoped3A : memref<!tpu.dma_semaphore, #tpu.memory_space<semaphore_mem>>) {add = true}
        %dma_wait3A = arith.constant 0 : i32
        %dma_wait3A_22 = tpu.memref_slice %arg6[%scan3A_16, %dma_wait3A] : memref<40x128xi32, #tpu.memory_space<vmem>> -> memref<1x128xi32, #tpu.memory_space<vmem>>
        %dma_wait3A_23 = tpu.memref_squeeze %dma_wait3A_22 : memref<1x128xi32, #tpu.memory_space<vmem>> -> memref<128xi32, #tpu.memory_space<vmem>>
        %dma_wait3A_24 = arith.constant 0 : i32
        %dma_wait3A_25 = arith.constant 0 : i32
        %dma_wait3A_26 = tpu.memref_slice %arg8[%dma_wait3A_24, %dma_wait3A_25] : memref<10112x128xf32, #tpu.memory_space<vmem_shared>> -> memref<10112x128xf32, #tpu.memory_space<vmem_shared>>
        tpu.wait_indirect_dma semaphore(%run_scoped3A : memref<!tpu.dma_semaphore, #tpu.memory_space<semaphore_mem>>) src(%arg7 : memref<128x128xf32, #tpu.memory_space<vmem>>) dst(%dma_wait3A_26 : memref<10112x128xf32, #tpu.memory_space<vmem_shared>>)
        tpu.yield
      }) : () -> ()
    }
    %scan3A_9 = arith.constant 40 : i32
    %barrier3A_10 = arith.constant 0 : index
    tpu.barrier barrier_id(%barrier3A_10)
    %mul3A_11 = arith.constant 10112 : i32
    %mul3A_12 = arith.muli %arg0, %mul3A_11 : i32
    %mul3A_13 = arith.constant 632 : i32
    %mul3A_14 = arith.muli %arg1, %mul3A_13 : i32
    %add3A_15 = arith.addi %mul3A_12, %mul3A_14 : i32
    "tpu.region"() ({
      %run_scoped3A = tpu.sem_alloc : memref<!tpu.dma_semaphore, #tpu.memory_space<semaphore_mem>>
      %dma_start3A = arith.constant 0 : i32
      %dma_start3A_16 = tpu.memref_slice %arg5[%add3A_15, %dma_start3A] : memref<20224x128xf32, #tpu.memory_space<hbm>> -> memref<632x128xf32, #tpu.memory_space<hbm>>
      %dma_start3A_17 = arith.constant 0 : i32
      %dma_start3A_18 = tpu.memref_slice %arg8[%mul3A_2, %dma_start3A_17] : memref<10112x128xf32, #tpu.memory_space<vmem_shared>> -> memref<632x128xf32, #tpu.memory_space<vmem_shared>>
      tpu.enqueue_dma source(%dma_start3A_18 : memref<632x128xf32, #tpu.memory_space<vmem_shared>>) target(%dma_start3A_16 : memref<632x128xf32, #tpu.memory_space<hbm>>) target_semaphore(%run_scoped3A : memref<!tpu.dma_semaphore, #tpu.memory_space<semaphore_mem>>)
      %dma_wait3A = arith.constant 0 : i32
      %dma_wait3A_19 = tpu.memref_slice %arg5[%add3A_15, %dma_wait3A] : memref<20224x128xf32, #tpu.memory_space<hbm>> -> memref<632x128xf32, #tpu.memory_space<hbm>>
      %dma_wait3A_20 = arith.constant 0 : i32
      %dma_wait3A_21 = tpu.memref_slice %arg8[%mul3A_2, %dma_wait3A_20] : memref<10112x128xf32, #tpu.memory_space<vmem_shared>> -> memref<632x128xf32, #tpu.memory_space<vmem_shared>>
      tpu.wait_dma2 semaphore(%run_scoped3A : memref<!tpu.dma_semaphore, #tpu.memory_space<semaphore_mem>>) src(%dma_wait3A_21 : memref<632x128xf32, #tpu.memory_space<vmem_shared>>) dst(%dma_wait3A_19 : memref<632x128xf32, #tpu.memory_space<hbm>>)
      tpu.yield
    }) : () -> ()
    return
  }
}

#map = affine_map<(d0, d1) -> (0, 0)>
module attributes {stable_mosaic.version = 14 : i64} {
  func.func @_agg_body(%arg0: i32, %arg1: i32, %arg2: memref<10112x128xf32, #tpu.memory_space<hbm>>, %arg3: memref<1280x128xi32, #tpu.memory_space<hbm>>, %arg4: memref<1280x128xi32, #tpu.memory_space<hbm>>, %arg5: memref<632x128xf32, #tpu.memory_space<hbm>>, %arg6: memref<20224x128xf32, #tpu.memory_space<hbm>>, %arg7: memref<64x128xi32, #tpu.memory_space<vmem>>, %arg8: memref<64x128xi32, #tpu.memory_space<vmem>>, %arg9: memref<128x128xf32, #tpu.memory_space<vmem>>, %arg10: memref<128x128xf32, #tpu.memory_space<vmem>>, %arg11: memref<10112x128xf32, #tpu.memory_space<vmem_shared>>, %arg12: memref<!tpu.dma_semaphore, #tpu.memory_space<semaphore_mem>>, %arg13: memref<!tpu.dma_semaphore, #tpu.memory_space<semaphore_mem>>) attributes {dimension_semantics = [#tpu.dimension_semantics<core_parallel>, #tpu.dimension_semantics<subcore_parallel>], iteration_bounds = array<i64: 2, 16>, scalar_prefetch = 0 : i64, scratch_operands = 7 : i64, tpu.core_type = #tpu.core_type<sc_vector_subcore>, window_params = [{transform_indices = #map}, {transform_indices = #map}, {transform_indices = #map}, {transform_indices = #map}, {transform_indices = #map}]} {
    %mul3A = arith.constant 632 : i32
    %mul3A_0 = arith.muli %arg1, %mul3A : i32
    "tpu.region"() ({
      %run_scoped3A = tpu.sem_alloc : memref<!tpu.dma_semaphore, #tpu.memory_space<semaphore_mem>>
      %dma_start3A = arith.constant 0 : i32
      %dma_start3A_12 = tpu.memref_slice %arg11[%mul3A_0, %dma_start3A] : memref<10112x128xf32, #tpu.memory_space<vmem_shared>> -> memref<632x128xf32, #tpu.memory_space<vmem_shared>>
      tpu.enqueue_dma source(%arg5 : memref<632x128xf32, #tpu.memory_space<hbm>>) target(%dma_start3A_12 : memref<632x128xf32, #tpu.memory_space<vmem_shared>>) target_semaphore(%run_scoped3A : memref<!tpu.dma_semaphore, #tpu.memory_space<semaphore_mem>>)
      %dma_wait3A = arith.constant 0 : i32
      %dma_wait3A_13 = tpu.memref_slice %arg11[%mul3A_0, %dma_wait3A] : memref<10112x128xf32, #tpu.memory_space<vmem_shared>> -> memref<632x128xf32, #tpu.memory_space<vmem_shared>>
      tpu.wait_dma2 semaphore(%run_scoped3A : memref<!tpu.dma_semaphore, #tpu.memory_space<semaphore_mem>>) src(%arg5 : memref<632x128xf32, #tpu.memory_space<hbm>>) dst(%dma_wait3A_13 : memref<632x128xf32, #tpu.memory_space<vmem_shared>>)
      tpu.yield
    }) : () -> ()
    %eq3A = arith.constant 0 : i32
    %eq3A_1 = arith.cmpi eq, %arg0, %eq3A : i32
    %convert_element_type3A = arith.extui %eq3A_1 : i1 to i32
    %cond3A = arith.constant 0 : i32
    %cond3A_2 = arith.cmpi ne, %convert_element_type3A, %cond3A : i32
    scf.if %cond3A_2 {
      %mul3A_12 = arith.constant 64 : i32
      %mul3A_13 = arith.muli %arg1, %mul3A_12 : i32
      "tpu.region"() ({
        %run_scoped3A = tpu.sem_alloc : memref<!tpu.dma_semaphore, #tpu.memory_space<semaphore_mem>>
        %dma_start3A_33 = arith.constant 0 : i32
        %dma_start3A_34 = arith.constant 0 : i32
        %dma_start3A_35 = tpu.memref_slice %arg7[%dma_start3A_33, %dma_start3A_34] : memref<64x128xi32, #tpu.memory_space<vmem>> -> memref<64x128xi32, #tpu.memory_space<vmem>>
        %dma_start3A_36 = arith.constant 0 : i32
        %dma_start3A_37 = tpu.memref_slice %arg3[%mul3A_13, %dma_start3A_36] : memref<1280x128xi32, #tpu.memory_space<hbm>> -> memref<64x128xi32, #tpu.memory_space<hbm>>
        %dma_start3A_38 = arith.constant 0 : i32
        %dma_start3A_39 = arith.constant 0 : i32
        %dma_start3A_40 = tpu.memref_slice %arg7[%dma_start3A_38, %dma_start3A_39] : memref<64x128xi32, #tpu.memory_space<vmem>> -> memref<64x128xi32, #tpu.memory_space<vmem>>
        %dma_start3A_41 = arith.constant 0 : i32
        %dma_start3A_42 = tpu.memref_slice %arg3[%mul3A_13, %dma_start3A_41] : memref<1280x128xi32, #tpu.memory_space<hbm>> -> memref<64x128xi32, #tpu.memory_space<hbm>>
        tpu.enqueue_dma source(%dma_start3A_42 : memref<64x128xi32, #tpu.memory_space<hbm>>) target(%dma_start3A_40 : memref<64x128xi32, #tpu.memory_space<vmem>>) target_semaphore(%run_scoped3A : memref<!tpu.dma_semaphore, #tpu.memory_space<semaphore_mem>>)
        %dma_wait3A = arith.constant 0 : i32
        %dma_wait3A_43 = arith.constant 0 : i32
        %dma_wait3A_44 = tpu.memref_slice %arg7[%dma_wait3A, %dma_wait3A_43] : memref<64x128xi32, #tpu.memory_space<vmem>> -> memref<64x128xi32, #tpu.memory_space<vmem>>
        %dma_wait3A_45 = arith.constant 0 : i32
        %dma_wait3A_46 = tpu.memref_slice %arg3[%mul3A_13, %dma_wait3A_45] : memref<1280x128xi32, #tpu.memory_space<hbm>> -> memref<64x128xi32, #tpu.memory_space<hbm>>
        %dma_wait3A_47 = arith.constant 0 : i32
        %dma_wait3A_48 = arith.constant 0 : i32
        %dma_wait3A_49 = tpu.memref_slice %arg7[%dma_wait3A_47, %dma_wait3A_48] : memref<64x128xi32, #tpu.memory_space<vmem>> -> memref<64x128xi32, #tpu.memory_space<vmem>>
        %dma_wait3A_50 = arith.constant 0 : i32
        %dma_wait3A_51 = tpu.memref_slice %arg3[%mul3A_13, %dma_wait3A_50] : memref<1280x128xi32, #tpu.memory_space<hbm>> -> memref<64x128xi32, #tpu.memory_space<hbm>>
        tpu.wait_dma2 semaphore(%run_scoped3A : memref<!tpu.dma_semaphore, #tpu.memory_space<semaphore_mem>>) src(%dma_wait3A_51 : memref<64x128xi32, #tpu.memory_space<hbm>>) dst(%dma_wait3A_49 : memref<64x128xi32, #tpu.memory_space<vmem>>)
        tpu.yield
      }) : () -> ()
      "tpu.region"() ({
        %run_scoped3A = tpu.sem_alloc : memref<!tpu.dma_semaphore, #tpu.memory_space<semaphore_mem>>
        %dma_start3A_33 = arith.constant 0 : i32
        %dma_start3A_34 = arith.constant 0 : i32
        %dma_start3A_35 = tpu.memref_slice %arg8[%dma_start3A_33, %dma_start3A_34] : memref<64x128xi32, #tpu.memory_space<vmem>> -> memref<64x128xi32, #tpu.memory_space<vmem>>
        %dma_start3A_36 = arith.constant 0 : i32
        %dma_start3A_37 = tpu.memref_slice %arg4[%mul3A_13, %dma_start3A_36] : memref<1280x128xi32, #tpu.memory_space<hbm>> -> memref<64x128xi32, #tpu.memory_space<hbm>>
        %dma_start3A_38 = arith.constant 0 : i32
        %dma_start3A_39 = arith.constant 0 : i32
        %dma_start3A_40 = tpu.memref_slice %arg8[%dma_start3A_38, %dma_start3A_39] : memref<64x128xi32, #tpu.memory_space<vmem>> -> memref<64x128xi32, #tpu.memory_space<vmem>>
        %dma_start3A_41 = arith.constant 0 : i32
        %dma_start3A_42 = tpu.memref_slice %arg4[%mul3A_13, %dma_start3A_41] : memref<1280x128xi32, #tpu.memory_space<hbm>> -> memref<64x128xi32, #tpu.memory_space<hbm>>
        tpu.enqueue_dma source(%dma_start3A_42 : memref<64x128xi32, #tpu.memory_space<hbm>>) target(%dma_start3A_40 : memref<64x128xi32, #tpu.memory_space<vmem>>) target_semaphore(%run_scoped3A : memref<!tpu.dma_semaphore, #tpu.memory_space<semaphore_mem>>)
        %dma_wait3A = arith.constant 0 : i32
        %dma_wait3A_43 = arith.constant 0 : i32
        %dma_wait3A_44 = tpu.memref_slice %arg8[%dma_wait3A, %dma_wait3A_43] : memref<64x128xi32, #tpu.memory_space<vmem>> -> memref<64x128xi32, #tpu.memory_space<vmem>>
        %dma_wait3A_45 = arith.constant 0 : i32
        %dma_wait3A_46 = tpu.memref_slice %arg4[%mul3A_13, %dma_wait3A_45] : memref<1280x128xi32, #tpu.memory_space<hbm>> -> memref<64x128xi32, #tpu.memory_space<hbm>>
        %dma_wait3A_47 = arith.constant 0 : i32
        %dma_wait3A_48 = arith.constant 0 : i32
        %dma_wait3A_49 = tpu.memref_slice %arg8[%dma_wait3A_47, %dma_wait3A_48] : memref<64x128xi32, #tpu.memory_space<vmem>> -> memref<64x128xi32, #tpu.memory_space<vmem>>
        %dma_wait3A_50 = arith.constant 0 : i32
        %dma_wait3A_51 = tpu.memref_slice %arg4[%mul3A_13, %dma_wait3A_50] : memref<1280x128xi32, #tpu.memory_space<hbm>> -> memref<64x128xi32, #tpu.memory_space<hbm>>
        tpu.wait_dma2 semaphore(%run_scoped3A : memref<!tpu.dma_semaphore, #tpu.memory_space<semaphore_mem>>) src(%dma_wait3A_51 : memref<64x128xi32, #tpu.memory_space<hbm>>) dst(%dma_wait3A_49 : memref<64x128xi32, #tpu.memory_space<vmem>>)
        tpu.yield
      }) : () -> ()
      %barrier3A_14 = arith.constant 0 : index
      tpu.barrier barrier_id(%barrier3A_14)
      %dma_start3A = arith.constant 0 : i32
      %dma_start3A_15 = arith.constant 0 : i32
      %dma_start3A_16 = tpu.memref_slice %arg7[%dma_start3A, %dma_start3A_15] : memref<64x128xi32, #tpu.memory_space<vmem>> -> memref<1x128xi32, #tpu.memory_space<vmem>>
      %dma_start3A_17 = tpu.memref_squeeze %dma_start3A_16 : memref<1x128xi32, #tpu.memory_space<vmem>> -> memref<128xi32, #tpu.memory_space<vmem>>
      %dma_start3A_18 = arith.constant 0 : i32
      %dma_start3A_19 = arith.constant 0 : i32
      %dma_start3A_20 = tpu.memref_slice %arg2[%dma_start3A_18, %dma_start3A_19] : memref<10112x128xf32, #tpu.memory_space<hbm>> -> memref<10112x128xf32, #tpu.memory_space<hbm>>
      tpu.enqueue_indirect_dma source(%dma_start3A_20 : memref<10112x128xf32, #tpu.memory_space<hbm>>) target(%arg9 : memref<128x128xf32, #tpu.memory_space<vmem>>) offsets(%dma_start3A_17 : memref<128xi32, #tpu.memory_space<vmem>>) semaphore(%arg12 : memref<!tpu.dma_semaphore, #tpu.memory_space<semaphore_mem>>)
      %dma_start3A_21 = arith.constant 1 : i32
      %dma_start3A_22 = arith.constant 0 : i32
      %dma_start3A_23 = tpu.memref_slice %arg7[%dma_start3A_21, %dma_start3A_22] : memref<64x128xi32, #tpu.memory_space<vmem>> -> memref<1x128xi32, #tpu.memory_space<vmem>>
      %dma_start3A_24 = tpu.memref_squeeze %dma_start3A_23 : memref<1x128xi32, #tpu.memory_space<vmem>> -> memref<128xi32, #tpu.memory_space<vmem>>
      %dma_start3A_25 = arith.constant 0 : i32
      %dma_start3A_26 = arith.constant 0 : i32
      %dma_start3A_27 = tpu.memref_slice %arg2[%dma_start3A_25, %dma_start3A_26] : memref<10112x128xf32, #tpu.memory_space<hbm>> -> memref<10112x128xf32, #tpu.memory_space<hbm>>
      tpu.enqueue_indirect_dma source(%dma_start3A_27 : memref<10112x128xf32, #tpu.memory_space<hbm>>) target(%arg10 : memref<128x128xf32, #tpu.memory_space<vmem>>) offsets(%dma_start3A_24 : memref<128xi32, #tpu.memory_space<vmem>>) semaphore(%arg13 : memref<!tpu.dma_semaphore, #tpu.memory_space<semaphore_mem>>)
      %scan3A = arith.constant 0 : i32
      %scan3A_28 = arith.constant 0 : i32
      %scan3A_29 = arith.constant 32 : i32
      %scan3A_30 = arith.addi %scan3A_28, %scan3A_29 : i32
      %scan3A_31 = arith.constant 1 : i32
      scf.for %scan3A_33 = %scan3A_28 to %scan3A_30 step %scan3A_31  : i32 {
        %mul3A_34 = arith.constant 2 : i32
        %mul3A_35 = arith.muli %scan3A_33, %mul3A_34 : i32
        %add3A_36 = arith.constant 0 : i32
        %add3A_37 = arith.addi %mul3A_35, %add3A_36 : i32
        %dma_wait3A = arith.constant 0 : i32
        %dma_wait3A_38 = tpu.memref_slice %arg7[%add3A_37, %dma_wait3A] : memref<64x128xi32, #tpu.memory_space<vmem>> -> memref<1x128xi32, #tpu.memory_space<vmem>>
        %dma_wait3A_39 = tpu.memref_squeeze %dma_wait3A_38 : memref<1x128xi32, #tpu.memory_space<vmem>> -> memref<128xi32, #tpu.memory_space<vmem>>
        %dma_wait3A_40 = arith.constant 0 : i32
        %dma_wait3A_41 = arith.constant 0 : i32
        %dma_wait3A_42 = tpu.memref_slice %arg2[%dma_wait3A_40, %dma_wait3A_41] : memref<10112x128xf32, #tpu.memory_space<hbm>> -> memref<10112x128xf32, #tpu.memory_space<hbm>>
        tpu.wait_indirect_dma semaphore(%arg12 : memref<!tpu.dma_semaphore, #tpu.memory_space<semaphore_mem>>) src(%dma_wait3A_42 : memref<10112x128xf32, #tpu.memory_space<hbm>>) dst(%arg9 : memref<128x128xf32, #tpu.memory_space<vmem>>)
        "tpu.region"() ({
          %run_scoped3A = tpu.sem_alloc : memref<!tpu.dma_semaphore, #tpu.memory_space<semaphore_mem>>
          %dma_start3A_66 = arith.constant 0 : i32
          %dma_start3A_67 = tpu.memref_slice %arg8[%add3A_37, %dma_start3A_66] : memref<64x128xi32, #tpu.memory_space<vmem>> -> memref<1x128xi32, #tpu.memory_space<vmem>>
          %dma_start3A_68 = tpu.memref_squeeze %dma_start3A_67 : memref<1x128xi32, #tpu.memory_space<vmem>> -> memref<128xi32, #tpu.memory_space<vmem>>
          %dma_start3A_69 = arith.constant 0 : i32
          %dma_start3A_70 = arith.constant 0 : i32
          %dma_start3A_71 = tpu.memref_slice %arg11[%dma_start3A_69, %dma_start3A_70] : memref<10112x128xf32, #tpu.memory_space<vmem_shared>> -> memref<10112x128xf32, #tpu.memory_space<vmem_shared>>
          tpu.enqueue_indirect_dma source(%arg9 : memref<128x128xf32, #tpu.memory_space<vmem>>) target(%dma_start3A_71 : memref<10112x128xf32, #tpu.memory_space<vmem_shared>>) offsets(%dma_start3A_68 : memref<128xi32, #tpu.memory_space<vmem>>) semaphore(%run_scoped3A : memref<!tpu.dma_semaphore, #tpu.memory_space<semaphore_mem>>) {add = true}
          %dma_wait3A_72 = arith.constant 0 : i32
          %dma_wait3A_73 = tpu.memref_slice %arg8[%add3A_37, %dma_wait3A_72] : memref<64x128xi32, #tpu.memory_space<vmem>> -> memref<1x128xi32, #tpu.memory_space<vmem>>
          %dma_wait3A_74 = tpu.memref_squeeze %dma_wait3A_73 : memref<1x128xi32, #tpu.memory_space<vmem>> -> memref<128xi32, #tpu.memory_space<vmem>>
          %dma_wait3A_75 = arith.constant 0 : i32
          %dma_wait3A_76 = arith.constant 0 : i32
          %dma_wait3A_77 = tpu.memref_slice %arg11[%dma_wait3A_75, %dma_wait3A_76] : memref<10112x128xf32, #tpu.memory_space<vmem_shared>> -> memref<10112x128xf32, #tpu.memory_space<vmem_shared>>
          tpu.wait_indirect_dma semaphore(%run_scoped3A : memref<!tpu.dma_semaphore, #tpu.memory_space<semaphore_mem>>) src(%arg9 : memref<128x128xf32, #tpu.memory_space<vmem>>) dst(%dma_wait3A_77 : memref<10112x128xf32, #tpu.memory_space<vmem_shared>>)
          tpu.yield
        }) : () -> ()
        %add3A_43 = arith.constant 1 : i32
        %add3A_44 = arith.addi %scan3A_33, %add3A_43 : i32
        %lt3A = arith.constant 32 : i32
        %lt3A_45 = arith.cmpi slt, %add3A_44, %lt3A : i32
        %convert_element_type3A_46 = arith.extui %lt3A_45 : i1 to i32
        %cond3A_47 = arith.constant 0 : i32
        %cond3A_48 = arith.cmpi ne, %convert_element_type3A_46, %cond3A_47 : i32
        scf.if %cond3A_48 {
          %add3A_66 = arith.constant 2 : i32
          %add3A_67 = arith.addi %add3A_37, %add3A_66 : i32
          %dma_start3A_68 = arith.constant 0 : i32
          %dma_start3A_69 = tpu.memref_slice %arg7[%add3A_67, %dma_start3A_68] : memref<64x128xi32, #tpu.memory_space<vmem>> -> memref<1x128xi32, #tpu.memory_space<vmem>>
          %dma_start3A_70 = tpu.memref_squeeze %dma_start3A_69 : memref<1x128xi32, #tpu.memory_space<vmem>> -> memref<128xi32, #tpu.memory_space<vmem>>
          %dma_start3A_71 = arith.constant 0 : i32
          %dma_start3A_72 = arith.constant 0 : i32
          %dma_start3A_73 = tpu.memref_slice %arg2[%dma_start3A_71, %dma_start3A_72] : memref<10112x128xf32, #tpu.memory_space<hbm>> -> memref<10112x128xf32, #tpu.memory_space<hbm>>
          tpu.enqueue_indirect_dma source(%dma_start3A_73 : memref<10112x128xf32, #tpu.memory_space<hbm>>) target(%arg9 : memref<128x128xf32, #tpu.memory_space<vmem>>) offsets(%dma_start3A_70 : memref<128xi32, #tpu.memory_space<vmem>>) semaphore(%arg12 : memref<!tpu.dma_semaphore, #tpu.memory_space<semaphore_mem>>)
        } else {
        }
        %mul3A_49 = arith.constant 2 : i32
        %mul3A_50 = arith.muli %scan3A_33, %mul3A_49 : i32
        %add3A_51 = arith.constant 1 : i32
        %add3A_52 = arith.addi %mul3A_50, %add3A_51 : i32
        %dma_wait3A_53 = arith.constant 0 : i32
        %dma_wait3A_54 = tpu.memref_slice %arg7[%add3A_52, %dma_wait3A_53] : memref<64x128xi32, #tpu.memory_space<vmem>> -> memref<1x128xi32, #tpu.memory_space<vmem>>
        %dma_wait3A_55 = tpu.memref_squeeze %dma_wait3A_54 : memref<1x128xi32, #tpu.memory_space<vmem>> -> memref<128xi32, #tpu.memory_space<vmem>>
        %dma_wait3A_56 = arith.constant 0 : i32
        %dma_wait3A_57 = arith.constant 0 : i32
        %dma_wait3A_58 = tpu.memref_slice %arg2[%dma_wait3A_56, %dma_wait3A_57] : memref<10112x128xf32, #tpu.memory_space<hbm>> -> memref<10112x128xf32, #tpu.memory_space<hbm>>
        tpu.wait_indirect_dma semaphore(%arg13 : memref<!tpu.dma_semaphore, #tpu.memory_space<semaphore_mem>>) src(%dma_wait3A_58 : memref<10112x128xf32, #tpu.memory_space<hbm>>) dst(%arg10 : memref<128x128xf32, #tpu.memory_space<vmem>>)
        "tpu.region"() ({
          %run_scoped3A = tpu.sem_alloc : memref<!tpu.dma_semaphore, #tpu.memory_space<semaphore_mem>>
          %dma_start3A_66 = arith.constant 0 : i32
          %dma_start3A_67 = tpu.memref_slice %arg8[%add3A_52, %dma_start3A_66] : memref<64x128xi32, #tpu.memory_space<vmem>> -> memref<1x128xi32, #tpu.memory_space<vmem>>
          %dma_start3A_68 = tpu.memref_squeeze %dma_start3A_67 : memref<1x128xi32, #tpu.memory_space<vmem>> -> memref<128xi32, #tpu.memory_space<vmem>>
          %dma_start3A_69 = arith.constant 0 : i32
          %dma_start3A_70 = arith.constant 0 : i32
          %dma_start3A_71 = tpu.memref_slice %arg11[%dma_start3A_69, %dma_start3A_70] : memref<10112x128xf32, #tpu.memory_space<vmem_shared>> -> memref<10112x128xf32, #tpu.memory_space<vmem_shared>>
          tpu.enqueue_indirect_dma source(%arg10 : memref<128x128xf32, #tpu.memory_space<vmem>>) target(%dma_start3A_71 : memref<10112x128xf32, #tpu.memory_space<vmem_shared>>) offsets(%dma_start3A_68 : memref<128xi32, #tpu.memory_space<vmem>>) semaphore(%run_scoped3A : memref<!tpu.dma_semaphore, #tpu.memory_space<semaphore_mem>>) {add = true}
          %dma_wait3A_72 = arith.constant 0 : i32
          %dma_wait3A_73 = tpu.memref_slice %arg8[%add3A_52, %dma_wait3A_72] : memref<64x128xi32, #tpu.memory_space<vmem>> -> memref<1x128xi32, #tpu.memory_space<vmem>>
          %dma_wait3A_74 = tpu.memref_squeeze %dma_wait3A_73 : memref<1x128xi32, #tpu.memory_space<vmem>> -> memref<128xi32, #tpu.memory_space<vmem>>
          %dma_wait3A_75 = arith.constant 0 : i32
          %dma_wait3A_76 = arith.constant 0 : i32
          %dma_wait3A_77 = tpu.memref_slice %arg11[%dma_wait3A_75, %dma_wait3A_76] : memref<10112x128xf32, #tpu.memory_space<vmem_shared>> -> memref<10112x128xf32, #tpu.memory_space<vmem_shared>>
          tpu.wait_indirect_dma semaphore(%run_scoped3A : memref<!tpu.dma_semaphore, #tpu.memory_space<semaphore_mem>>) src(%arg10 : memref<128x128xf32, #tpu.memory_space<vmem>>) dst(%dma_wait3A_77 : memref<10112x128xf32, #tpu.memory_space<vmem_shared>>)
          tpu.yield
        }) : () -> ()
        %add3A_59 = arith.constant 1 : i32
        %add3A_60 = arith.addi %scan3A_33, %add3A_59 : i32
        %lt3A_61 = arith.constant 32 : i32
        %lt3A_62 = arith.cmpi slt, %add3A_60, %lt3A_61 : i32
        %convert_element_type3A_63 = arith.extui %lt3A_62 : i1 to i32
        %cond3A_64 = arith.constant 0 : i32
        %cond3A_65 = arith.cmpi ne, %convert_element_type3A_63, %cond3A_64 : i32
        scf.if %cond3A_65 {
          %add3A_66 = arith.constant 2 : i32
          %add3A_67 = arith.addi %add3A_52, %add3A_66 : i32
          %dma_start3A_68 = arith.constant 0 : i32
          %dma_start3A_69 = tpu.memref_slice %arg7[%add3A_67, %dma_start3A_68] : memref<64x128xi32, #tpu.memory_space<vmem>> -> memref<1x128xi32, #tpu.memory_space<vmem>>
          %dma_start3A_70 = tpu.memref_squeeze %dma_start3A_69 : memref<1x128xi32, #tpu.memory_space<vmem>> -> memref<128xi32, #tpu.memory_space<vmem>>
          %dma_start3A_71 = arith.constant 0 : i32
          %dma_start3A_72 = arith.constant 0 : i32
          %dma_start3A_73 = tpu.memref_slice %arg2[%dma_start3A_71, %dma_start3A_72] : memref<10112x128xf32, #tpu.memory_space<hbm>> -> memref<10112x128xf32, #tpu.memory_space<hbm>>
          tpu.enqueue_indirect_dma source(%dma_start3A_73 : memref<10112x128xf32, #tpu.memory_space<hbm>>) target(%arg10 : memref<128x128xf32, #tpu.memory_space<vmem>>) offsets(%dma_start3A_70 : memref<128xi32, #tpu.memory_space<vmem>>) semaphore(%arg13 : memref<!tpu.dma_semaphore, #tpu.memory_space<semaphore_mem>>)
        } else {
        }
      }
      %scan3A_32 = arith.constant 32 : i32
    } else {
    }
    %eq3A_3 = arith.constant 1 : i32
    %eq3A_4 = arith.cmpi eq, %arg0, %eq3A_3 : i32
    %convert_element_type3A_5 = arith.extui %eq3A_4 : i1 to i32
    %cond3A_6 = arith.constant 0 : i32
    %cond3A_7 = arith.cmpi ne, %convert_element_type3A_5, %cond3A_6 : i32
    scf.if %cond3A_7 {
      %mul3A_12 = arith.constant 16 : i32
      %mul3A_13 = arith.muli %arg1, %mul3A_12 : i32
      %add3A_14 = arith.constant 1024 : i32
      %add3A_15 = arith.addi %add3A_14, %mul3A_13 : i32
      "tpu.region"() ({
        %run_scoped3A = tpu.sem_alloc : memref<!tpu.dma_semaphore, #tpu.memory_space<semaphore_mem>>
        %dma_start3A_35 = arith.constant 0 : i32
        %dma_start3A_36 = arith.constant 0 : i32
        %dma_start3A_37 = tpu.memref_slice %arg7[%dma_start3A_35, %dma_start3A_36] : memref<64x128xi32, #tpu.memory_space<vmem>> -> memref<16x128xi32, #tpu.memory_space<vmem>>
        %dma_start3A_38 = arith.constant 0 : i32
        %dma_start3A_39 = tpu.memref_slice %arg3[%add3A_15, %dma_start3A_38] : memref<1280x128xi32, #tpu.memory_space<hbm>> -> memref<16x128xi32, #tpu.memory_space<hbm>>
        %dma_start3A_40 = arith.constant 0 : i32
        %dma_start3A_41 = arith.constant 0 : i32
        %dma_start3A_42 = tpu.memref_slice %arg7[%dma_start3A_40, %dma_start3A_41] : memref<64x128xi32, #tpu.memory_space<vmem>> -> memref<16x128xi32, #tpu.memory_space<vmem>>
        %dma_start3A_43 = arith.constant 0 : i32
        %dma_start3A_44 = tpu.memref_slice %arg3[%add3A_15, %dma_start3A_43] : memref<1280x128xi32, #tpu.memory_space<hbm>> -> memref<16x128xi32, #tpu.memory_space<hbm>>
        tpu.enqueue_dma source(%dma_start3A_44 : memref<16x128xi32, #tpu.memory_space<hbm>>) target(%dma_start3A_42 : memref<16x128xi32, #tpu.memory_space<vmem>>) target_semaphore(%run_scoped3A : memref<!tpu.dma_semaphore, #tpu.memory_space<semaphore_mem>>)
        %dma_wait3A = arith.constant 0 : i32
        %dma_wait3A_45 = arith.constant 0 : i32
        %dma_wait3A_46 = tpu.memref_slice %arg7[%dma_wait3A, %dma_wait3A_45] : memref<64x128xi32, #tpu.memory_space<vmem>> -> memref<16x128xi32, #tpu.memory_space<vmem>>
        %dma_wait3A_47 = arith.constant 0 : i32
        %dma_wait3A_48 = tpu.memref_slice %arg3[%add3A_15, %dma_wait3A_47] : memref<1280x128xi32, #tpu.memory_space<hbm>> -> memref<16x128xi32, #tpu.memory_space<hbm>>
        %dma_wait3A_49 = arith.constant 0 : i32
        %dma_wait3A_50 = arith.constant 0 : i32
        %dma_wait3A_51 = tpu.memref_slice %arg7[%dma_wait3A_49, %dma_wait3A_50] : memref<64x128xi32, #tpu.memory_space<vmem>> -> memref<16x128xi32, #tpu.memory_space<vmem>>
        %dma_wait3A_52 = arith.constant 0 : i32
        %dma_wait3A_53 = tpu.memref_slice %arg3[%add3A_15, %dma_wait3A_52] : memref<1280x128xi32, #tpu.memory_space<hbm>> -> memref<16x128xi32, #tpu.memory_space<hbm>>
        tpu.wait_dma2 semaphore(%run_scoped3A : memref<!tpu.dma_semaphore, #tpu.memory_space<semaphore_mem>>) src(%dma_wait3A_53 : memref<16x128xi32, #tpu.memory_space<hbm>>) dst(%dma_wait3A_51 : memref<16x128xi32, #tpu.memory_space<vmem>>)
        tpu.yield
      }) : () -> ()
      "tpu.region"() ({
        %run_scoped3A = tpu.sem_alloc : memref<!tpu.dma_semaphore, #tpu.memory_space<semaphore_mem>>
        %dma_start3A_35 = arith.constant 0 : i32
        %dma_start3A_36 = arith.constant 0 : i32
        %dma_start3A_37 = tpu.memref_slice %arg8[%dma_start3A_35, %dma_start3A_36] : memref<64x128xi32, #tpu.memory_space<vmem>> -> memref<16x128xi32, #tpu.memory_space<vmem>>
        %dma_start3A_38 = arith.constant 0 : i32
        %dma_start3A_39 = tpu.memref_slice %arg4[%add3A_15, %dma_start3A_38] : memref<1280x128xi32, #tpu.memory_space<hbm>> -> memref<16x128xi32, #tpu.memory_space<hbm>>
        %dma_start3A_40 = arith.constant 0 : i32
        %dma_start3A_41 = arith.constant 0 : i32
        %dma_start3A_42 = tpu.memref_slice %arg8[%dma_start3A_40, %dma_start3A_41] : memref<64x128xi32, #tpu.memory_space<vmem>> -> memref<16x128xi32, #tpu.memory_space<vmem>>
        %dma_start3A_43 = arith.constant 0 : i32
        %dma_start3A_44 = tpu.memref_slice %arg4[%add3A_15, %dma_start3A_43] : memref<1280x128xi32, #tpu.memory_space<hbm>> -> memref<16x128xi32, #tpu.memory_space<hbm>>
        tpu.enqueue_dma source(%dma_start3A_44 : memref<16x128xi32, #tpu.memory_space<hbm>>) target(%dma_start3A_42 : memref<16x128xi32, #tpu.memory_space<vmem>>) target_semaphore(%run_scoped3A : memref<!tpu.dma_semaphore, #tpu.memory_space<semaphore_mem>>)
        %dma_wait3A = arith.constant 0 : i32
        %dma_wait3A_45 = arith.constant 0 : i32
        %dma_wait3A_46 = tpu.memref_slice %arg8[%dma_wait3A, %dma_wait3A_45] : memref<64x128xi32, #tpu.memory_space<vmem>> -> memref<16x128xi32, #tpu.memory_space<vmem>>
        %dma_wait3A_47 = arith.constant 0 : i32
        %dma_wait3A_48 = tpu.memref_slice %arg4[%add3A_15, %dma_wait3A_47] : memref<1280x128xi32, #tpu.memory_space<hbm>> -> memref<16x128xi32, #tpu.memory_space<hbm>>
        %dma_wait3A_49 = arith.constant 0 : i32
        %dma_wait3A_50 = arith.constant 0 : i32
        %dma_wait3A_51 = tpu.memref_slice %arg8[%dma_wait3A_49, %dma_wait3A_50] : memref<64x128xi32, #tpu.memory_space<vmem>> -> memref<16x128xi32, #tpu.memory_space<vmem>>
        %dma_wait3A_52 = arith.constant 0 : i32
        %dma_wait3A_53 = tpu.memref_slice %arg4[%add3A_15, %dma_wait3A_52] : memref<1280x128xi32, #tpu.memory_space<hbm>> -> memref<16x128xi32, #tpu.memory_space<hbm>>
        tpu.wait_dma2 semaphore(%run_scoped3A : memref<!tpu.dma_semaphore, #tpu.memory_space<semaphore_mem>>) src(%dma_wait3A_53 : memref<16x128xi32, #tpu.memory_space<hbm>>) dst(%dma_wait3A_51 : memref<16x128xi32, #tpu.memory_space<vmem>>)
        tpu.yield
      }) : () -> ()
      %barrier3A_16 = arith.constant 0 : index
      tpu.barrier barrier_id(%barrier3A_16)
      %dma_start3A = arith.constant 0 : i32
      %dma_start3A_17 = arith.constant 0 : i32
      %dma_start3A_18 = tpu.memref_slice %arg7[%dma_start3A, %dma_start3A_17] : memref<64x128xi32, #tpu.memory_space<vmem>> -> memref<1x128xi32, #tpu.memory_space<vmem>>
      %dma_start3A_19 = tpu.memref_squeeze %dma_start3A_18 : memref<1x128xi32, #tpu.memory_space<vmem>> -> memref<128xi32, #tpu.memory_space<vmem>>
      %dma_start3A_20 = arith.constant 0 : i32
      %dma_start3A_21 = arith.constant 0 : i32
      %dma_start3A_22 = tpu.memref_slice %arg2[%dma_start3A_20, %dma_start3A_21] : memref<10112x128xf32, #tpu.memory_space<hbm>> -> memref<10112x128xf32, #tpu.memory_space<hbm>>
      tpu.enqueue_indirect_dma source(%dma_start3A_22 : memref<10112x128xf32, #tpu.memory_space<hbm>>) target(%arg9 : memref<128x128xf32, #tpu.memory_space<vmem>>) offsets(%dma_start3A_19 : memref<128xi32, #tpu.memory_space<vmem>>) semaphore(%arg12 : memref<!tpu.dma_semaphore, #tpu.memory_space<semaphore_mem>>)
      %dma_start3A_23 = arith.constant 1 : i32
      %dma_start3A_24 = arith.constant 0 : i32
      %dma_start3A_25 = tpu.memref_slice %arg7[%dma_start3A_23, %dma_start3A_24] : memref<64x128xi32, #tpu.memory_space<vmem>> -> memref<1x128xi32, #tpu.memory_space<vmem>>
      %dma_start3A_26 = tpu.memref_squeeze %dma_start3A_25 : memref<1x128xi32, #tpu.memory_space<vmem>> -> memref<128xi32, #tpu.memory_space<vmem>>
      %dma_start3A_27 = arith.constant 0 : i32
      %dma_start3A_28 = arith.constant 0 : i32
      %dma_start3A_29 = tpu.memref_slice %arg2[%dma_start3A_27, %dma_start3A_28] : memref<10112x128xf32, #tpu.memory_space<hbm>> -> memref<10112x128xf32, #tpu.memory_space<hbm>>
      tpu.enqueue_indirect_dma source(%dma_start3A_29 : memref<10112x128xf32, #tpu.memory_space<hbm>>) target(%arg10 : memref<128x128xf32, #tpu.memory_space<vmem>>) offsets(%dma_start3A_26 : memref<128xi32, #tpu.memory_space<vmem>>) semaphore(%arg13 : memref<!tpu.dma_semaphore, #tpu.memory_space<semaphore_mem>>)
      %scan3A = arith.constant 0 : i32
      %scan3A_30 = arith.constant 0 : i32
      %scan3A_31 = arith.constant 8 : i32
      %scan3A_32 = arith.addi %scan3A_30, %scan3A_31 : i32
      %scan3A_33 = arith.constant 1 : i32
      scf.for %scan3A_35 = %scan3A_30 to %scan3A_32 step %scan3A_33  : i32 {
        %mul3A_36 = arith.constant 2 : i32
        %mul3A_37 = arith.muli %scan3A_35, %mul3A_36 : i32
        %add3A_38 = arith.constant 0 : i32
        %add3A_39 = arith.addi %mul3A_37, %add3A_38 : i32
        %dma_wait3A = arith.constant 0 : i32
        %dma_wait3A_40 = tpu.memref_slice %arg7[%add3A_39, %dma_wait3A] : memref<64x128xi32, #tpu.memory_space<vmem>> -> memref<1x128xi32, #tpu.memory_space<vmem>>
        %dma_wait3A_41 = tpu.memref_squeeze %dma_wait3A_40 : memref<1x128xi32, #tpu.memory_space<vmem>> -> memref<128xi32, #tpu.memory_space<vmem>>
        %dma_wait3A_42 = arith.constant 0 : i32
        %dma_wait3A_43 = arith.constant 0 : i32
        %dma_wait3A_44 = tpu.memref_slice %arg2[%dma_wait3A_42, %dma_wait3A_43] : memref<10112x128xf32, #tpu.memory_space<hbm>> -> memref<10112x128xf32, #tpu.memory_space<hbm>>
        tpu.wait_indirect_dma semaphore(%arg12 : memref<!tpu.dma_semaphore, #tpu.memory_space<semaphore_mem>>) src(%dma_wait3A_44 : memref<10112x128xf32, #tpu.memory_space<hbm>>) dst(%arg9 : memref<128x128xf32, #tpu.memory_space<vmem>>)
        "tpu.region"() ({
          %run_scoped3A = tpu.sem_alloc : memref<!tpu.dma_semaphore, #tpu.memory_space<semaphore_mem>>
          %dma_start3A_68 = arith.constant 0 : i32
          %dma_start3A_69 = tpu.memref_slice %arg8[%add3A_39, %dma_start3A_68] : memref<64x128xi32, #tpu.memory_space<vmem>> -> memref<1x128xi32, #tpu.memory_space<vmem>>
          %dma_start3A_70 = tpu.memref_squeeze %dma_start3A_69 : memref<1x128xi32, #tpu.memory_space<vmem>> -> memref<128xi32, #tpu.memory_space<vmem>>
          %dma_start3A_71 = arith.constant 0 : i32
          %dma_start3A_72 = arith.constant 0 : i32
          %dma_start3A_73 = tpu.memref_slice %arg11[%dma_start3A_71, %dma_start3A_72] : memref<10112x128xf32, #tpu.memory_space<vmem_shared>> -> memref<10112x128xf32, #tpu.memory_space<vmem_shared>>
          tpu.enqueue_indirect_dma source(%arg9 : memref<128x128xf32, #tpu.memory_space<vmem>>) target(%dma_start3A_73 : memref<10112x128xf32, #tpu.memory_space<vmem_shared>>) offsets(%dma_start3A_70 : memref<128xi32, #tpu.memory_space<vmem>>) semaphore(%run_scoped3A : memref<!tpu.dma_semaphore, #tpu.memory_space<semaphore_mem>>) {add = true}
          %dma_wait3A_74 = arith.constant 0 : i32
          %dma_wait3A_75 = tpu.memref_slice %arg8[%add3A_39, %dma_wait3A_74] : memref<64x128xi32, #tpu.memory_space<vmem>> -> memref<1x128xi32, #tpu.memory_space<vmem>>
          %dma_wait3A_76 = tpu.memref_squeeze %dma_wait3A_75 : memref<1x128xi32, #tpu.memory_space<vmem>> -> memref<128xi32, #tpu.memory_space<vmem>>
          %dma_wait3A_77 = arith.constant 0 : i32
          %dma_wait3A_78 = arith.constant 0 : i32
          %dma_wait3A_79 = tpu.memref_slice %arg11[%dma_wait3A_77, %dma_wait3A_78] : memref<10112x128xf32, #tpu.memory_space<vmem_shared>> -> memref<10112x128xf32, #tpu.memory_space<vmem_shared>>
          tpu.wait_indirect_dma semaphore(%run_scoped3A : memref<!tpu.dma_semaphore, #tpu.memory_space<semaphore_mem>>) src(%arg9 : memref<128x128xf32, #tpu.memory_space<vmem>>) dst(%dma_wait3A_79 : memref<10112x128xf32, #tpu.memory_space<vmem_shared>>)
          tpu.yield
        }) : () -> ()
        %add3A_45 = arith.constant 1 : i32
        %add3A_46 = arith.addi %scan3A_35, %add3A_45 : i32
        %lt3A = arith.constant 8 : i32
        %lt3A_47 = arith.cmpi slt, %add3A_46, %lt3A : i32
        %convert_element_type3A_48 = arith.extui %lt3A_47 : i1 to i32
        %cond3A_49 = arith.constant 0 : i32
        %cond3A_50 = arith.cmpi ne, %convert_element_type3A_48, %cond3A_49 : i32
        scf.if %cond3A_50 {
          %add3A_68 = arith.constant 2 : i32
          %add3A_69 = arith.addi %add3A_39, %add3A_68 : i32
          %dma_start3A_70 = arith.constant 0 : i32
          %dma_start3A_71 = tpu.memref_slice %arg7[%add3A_69, %dma_start3A_70] : memref<64x128xi32, #tpu.memory_space<vmem>> -> memref<1x128xi32, #tpu.memory_space<vmem>>
          %dma_start3A_72 = tpu.memref_squeeze %dma_start3A_71 : memref<1x128xi32, #tpu.memory_space<vmem>> -> memref<128xi32, #tpu.memory_space<vmem>>
          %dma_start3A_73 = arith.constant 0 : i32
          %dma_start3A_74 = arith.constant 0 : i32
          %dma_start3A_75 = tpu.memref_slice %arg2[%dma_start3A_73, %dma_start3A_74] : memref<10112x128xf32, #tpu.memory_space<hbm>> -> memref<10112x128xf32, #tpu.memory_space<hbm>>
          tpu.enqueue_indirect_dma source(%dma_start3A_75 : memref<10112x128xf32, #tpu.memory_space<hbm>>) target(%arg9 : memref<128x128xf32, #tpu.memory_space<vmem>>) offsets(%dma_start3A_72 : memref<128xi32, #tpu.memory_space<vmem>>) semaphore(%arg12 : memref<!tpu.dma_semaphore, #tpu.memory_space<semaphore_mem>>)
        } else {
        }
        %mul3A_51 = arith.constant 2 : i32
        %mul3A_52 = arith.muli %scan3A_35, %mul3A_51 : i32
        %add3A_53 = arith.constant 1 : i32
        %add3A_54 = arith.addi %mul3A_52, %add3A_53 : i32
        %dma_wait3A_55 = arith.constant 0 : i32
        %dma_wait3A_56 = tpu.memref_slice %arg7[%add3A_54, %dma_wait3A_55] : memref<64x128xi32, #tpu.memory_space<vmem>> -> memref<1x128xi32, #tpu.memory_space<vmem>>
        %dma_wait3A_57 = tpu.memref_squeeze %dma_wait3A_56 : memref<1x128xi32, #tpu.memory_space<vmem>> -> memref<128xi32, #tpu.memory_space<vmem>>
        %dma_wait3A_58 = arith.constant 0 : i32
        %dma_wait3A_59 = arith.constant 0 : i32
        %dma_wait3A_60 = tpu.memref_slice %arg2[%dma_wait3A_58, %dma_wait3A_59] : memref<10112x128xf32, #tpu.memory_space<hbm>> -> memref<10112x128xf32, #tpu.memory_space<hbm>>
        tpu.wait_indirect_dma semaphore(%arg13 : memref<!tpu.dma_semaphore, #tpu.memory_space<semaphore_mem>>) src(%dma_wait3A_60 : memref<10112x128xf32, #tpu.memory_space<hbm>>) dst(%arg10 : memref<128x128xf32, #tpu.memory_space<vmem>>)
        "tpu.region"() ({
          %run_scoped3A = tpu.sem_alloc : memref<!tpu.dma_semaphore, #tpu.memory_space<semaphore_mem>>
          %dma_start3A_68 = arith.constant 0 : i32
          %dma_start3A_69 = tpu.memref_slice %arg8[%add3A_54, %dma_start3A_68] : memref<64x128xi32, #tpu.memory_space<vmem>> -> memref<1x128xi32, #tpu.memory_space<vmem>>
          %dma_start3A_70 = tpu.memref_squeeze %dma_start3A_69 : memref<1x128xi32, #tpu.memory_space<vmem>> -> memref<128xi32, #tpu.memory_space<vmem>>
          %dma_start3A_71 = arith.constant 0 : i32
          %dma_start3A_72 = arith.constant 0 : i32
          %dma_start3A_73 = tpu.memref_slice %arg11[%dma_start3A_71, %dma_start3A_72] : memref<10112x128xf32, #tpu.memory_space<vmem_shared>> -> memref<10112x128xf32, #tpu.memory_space<vmem_shared>>
          tpu.enqueue_indirect_dma source(%arg10 : memref<128x128xf32, #tpu.memory_space<vmem>>) target(%dma_start3A_73 : memref<10112x128xf32, #tpu.memory_space<vmem_shared>>) offsets(%dma_start3A_70 : memref<128xi32, #tpu.memory_space<vmem>>) semaphore(%run_scoped3A : memref<!tpu.dma_semaphore, #tpu.memory_space<semaphore_mem>>) {add = true}
          %dma_wait3A_74 = arith.constant 0 : i32
          %dma_wait3A_75 = tpu.memref_slice %arg8[%add3A_54, %dma_wait3A_74] : memref<64x128xi32, #tpu.memory_space<vmem>> -> memref<1x128xi32, #tpu.memory_space<vmem>>
          %dma_wait3A_76 = tpu.memref_squeeze %dma_wait3A_75 : memref<1x128xi32, #tpu.memory_space<vmem>> -> memref<128xi32, #tpu.memory_space<vmem>>
          %dma_wait3A_77 = arith.constant 0 : i32
          %dma_wait3A_78 = arith.constant 0 : i32
          %dma_wait3A_79 = tpu.memref_slice %arg11[%dma_wait3A_77, %dma_wait3A_78] : memref<10112x128xf32, #tpu.memory_space<vmem_shared>> -> memref<10112x128xf32, #tpu.memory_space<vmem_shared>>
          tpu.wait_indirect_dma semaphore(%run_scoped3A : memref<!tpu.dma_semaphore, #tpu.memory_space<semaphore_mem>>) src(%arg10 : memref<128x128xf32, #tpu.memory_space<vmem>>) dst(%dma_wait3A_79 : memref<10112x128xf32, #tpu.memory_space<vmem_shared>>)
          tpu.yield
        }) : () -> ()
        %add3A_61 = arith.constant 1 : i32
        %add3A_62 = arith.addi %scan3A_35, %add3A_61 : i32
        %lt3A_63 = arith.constant 8 : i32
        %lt3A_64 = arith.cmpi slt, %add3A_62, %lt3A_63 : i32
        %convert_element_type3A_65 = arith.extui %lt3A_64 : i1 to i32
        %cond3A_66 = arith.constant 0 : i32
        %cond3A_67 = arith.cmpi ne, %convert_element_type3A_65, %cond3A_66 : i32
        scf.if %cond3A_67 {
          %add3A_68 = arith.constant 2 : i32
          %add3A_69 = arith.addi %add3A_54, %add3A_68 : i32
          %dma_start3A_70 = arith.constant 0 : i32
          %dma_start3A_71 = tpu.memref_slice %arg7[%add3A_69, %dma_start3A_70] : memref<64x128xi32, #tpu.memory_space<vmem>> -> memref<1x128xi32, #tpu.memory_space<vmem>>
          %dma_start3A_72 = tpu.memref_squeeze %dma_start3A_71 : memref<1x128xi32, #tpu.memory_space<vmem>> -> memref<128xi32, #tpu.memory_space<vmem>>
          %dma_start3A_73 = arith.constant 0 : i32
          %dma_start3A_74 = arith.constant 0 : i32
          %dma_start3A_75 = tpu.memref_slice %arg2[%dma_start3A_73, %dma_start3A_74] : memref<10112x128xf32, #tpu.memory_space<hbm>> -> memref<10112x128xf32, #tpu.memory_space<hbm>>
          tpu.enqueue_indirect_dma source(%dma_start3A_75 : memref<10112x128xf32, #tpu.memory_space<hbm>>) target(%arg10 : memref<128x128xf32, #tpu.memory_space<vmem>>) offsets(%dma_start3A_72 : memref<128xi32, #tpu.memory_space<vmem>>) semaphore(%arg13 : memref<!tpu.dma_semaphore, #tpu.memory_space<semaphore_mem>>)
        } else {
        }
      }
      %scan3A_34 = arith.constant 8 : i32
    } else {
    }
    %barrier3A = arith.constant 0 : index
    tpu.barrier barrier_id(%barrier3A)
    %mul3A_8 = arith.constant 10112 : i32
    %mul3A_9 = arith.muli %arg0, %mul3A_8 : i32
    %mul3A_10 = arith.constant 632 : i32
    %mul3A_11 = arith.muli %arg1, %mul3A_10 : i32
    %add3A = arith.addi %mul3A_9, %mul3A_11 : i32
    "tpu.region"() ({
      %run_scoped3A = tpu.sem_alloc : memref<!tpu.dma_semaphore, #tpu.memory_space<semaphore_mem>>
      %dma_start3A = arith.constant 0 : i32
      %dma_start3A_12 = tpu.memref_slice %arg6[%add3A, %dma_start3A] : memref<20224x128xf32, #tpu.memory_space<hbm>> -> memref<632x128xf32, #tpu.memory_space<hbm>>
      %dma_start3A_13 = arith.constant 0 : i32
      %dma_start3A_14 = tpu.memref_slice %arg11[%mul3A_0, %dma_start3A_13] : memref<10112x128xf32, #tpu.memory_space<vmem_shared>> -> memref<632x128xf32, #tpu.memory_space<vmem_shared>>
      tpu.enqueue_dma source(%dma_start3A_14 : memref<632x128xf32, #tpu.memory_space<vmem_shared>>) target(%dma_start3A_12 : memref<632x128xf32, #tpu.memory_space<hbm>>) target_semaphore(%run_scoped3A : memref<!tpu.dma_semaphore, #tpu.memory_space<semaphore_mem>>)
      %dma_wait3A = arith.constant 0 : i32
      %dma_wait3A_15 = tpu.memref_slice %arg6[%add3A, %dma_wait3A] : memref<20224x128xf32, #tpu.memory_space<hbm>> -> memref<632x128xf32, #tpu.memory_space<hbm>>
      %dma_wait3A_16 = arith.constant 0 : i32
      %dma_wait3A_17 = tpu.memref_slice %arg11[%mul3A_0, %dma_wait3A_16] : memref<10112x128xf32, #tpu.memory_space<vmem_shared>> -> memref<632x128xf32, #tpu.memory_space<vmem_shared>>
      tpu.wait_dma2 semaphore(%run_scoped3A : memref<!tpu.dma_semaphore, #tpu.memory_space<semaphore_mem>>) src(%dma_wait3A_17 : memref<632x128xf32, #tpu.memory_space<vmem_shared>>) dst(%dma_wait3A_15 : memref<632x128xf32, #tpu.memory_space<hbm>>)
      tpu.yield
    }) : () -> ()
    return
  }
}

module attributes {stable_mosaic.version = 14 : i64} {
  func.func @_tc1_body(%arg0: i32, %arg1: memref<1264x128xf32, #tpu.memory_space<vmem>>, %arg2: memref<128x128xf32, #tpu.memory_space<vmem>>, %arg3: memref<128x64xf32, #tpu.memory_space<vmem>>, %arg4: memref<1x64xf32, #tpu.memory_space<vmem>>, %arg5: memref<1264x128xf32, #tpu.memory_space<vmem>>, %arg6: memref<1264x64xf32, #tpu.memory_space<vmem>>) attributes {dimension_semantics = [#tpu.dimension_semantics<parallel>], iteration_bounds = array<i64: 8>, scalar_prefetch = 0 : i64, scratch_operands = 0 : i64, tpu.core_type = #tpu.core_type<tc>, window_params = [{transform_indices = @transform_0, window_bounds = array<i64: 1264, 128>}, {pipeline_mode = #tpu.pipeline_mode<synchronous>, transform_indices = @transform_1, window_bounds = array<i64: 128, 128>}, {pipeline_mode = #tpu.pipeline_mode<synchronous>, transform_indices = @transform_2, window_bounds = array<i64: 128, 64>}, {pipeline_mode = #tpu.pipeline_mode<synchronous>, transform_indices = @transform_3, window_bounds = array<i64: 1, 64>}, {transform_indices = @transform_4, window_bounds = array<i64: 1264, 128>}, {transform_indices = @transform_5, window_bounds = array<i64: 1264, 64>}]} {
    %get3A = arith.constant 0 : index
    %get3A_0 = arith.constant 0 : index
    %get3A_1 = vector.load %arg1[%get3A, %get3A_0] : memref<1264x128xf32, #tpu.memory_space<vmem>>, vector<1264x128xf32>
    %get3A_2 = arith.constant 0 : index
    %get3A_3 = arith.constant 0 : index
    %get3A_4 = vector.load %arg2[%get3A_2, %get3A_3] : memref<128x128xf32, #tpu.memory_space<vmem>>, vector<128x128xf32>
    %dot_general3A = arith.constant dense<0.000000e+00> : vector<1264x128xf32>
    %dot_general3A_5 = tpu.matmul %get3A_1, %get3A_4, %dot_general3A {dimension_numbers = #tpu.dot_dimension_numbers<[1], [0], [0], [1], [0, 0, 1, 1], [], []>, transpose_lhs_hint = false} : vector<1264x128xf32>, vector<128x128xf32>, vector<1264x128xf32> -> vector<1264x128xf32>
    %swap3A = arith.constant 0 : index
    %swap3A_6 = arith.constant 0 : index
    %swap3A_7 = vector.load %arg5[%swap3A, %swap3A_6] : memref<1264x128xf32, #tpu.memory_space<vmem>>, vector<1264x128xf32>
    tpu.vector_store %arg5[%swap3A, %swap3A_6], %dot_general3A_5 {strides = array<i32>} : memref<1264x128xf32, #tpu.memory_space<vmem>>, vector<1264x128xf32>,
    %get3A_8 = arith.constant 0 : index
    %get3A_9 = arith.constant 0 : index
    %get3A_10 = vector.load %arg3[%get3A_8, %get3A_9] : memref<128x64xf32, #tpu.memory_space<vmem>>, vector<128x64xf32>
    %dot_general3A_11 = arith.constant dense<0.000000e+00> : vector<1264x64xf32>
    %dot_general3A_12 = tpu.matmul %get3A_1, %get3A_10, %dot_general3A_11 {dimension_numbers = #tpu.dot_dimension_numbers<[1], [0], [0], [1], [0, 0, 1, 1], [], []>, transpose_lhs_hint = false} : vector<1264x128xf32>, vector<128x64xf32>, vector<1264x64xf32> -> vector<1264x64xf32>
    %get3A_13 = arith.constant 0 : index
    %get3A_14 = arith.constant 0 : index
    %get3A_15 = vector.load %arg4[%get3A_13, %get3A_14] : memref<1x64xf32, #tpu.memory_space<vmem>>, vector<1x64xf32>
    %add3A = vector.broadcast %get3A_15 : vector<1x64xf32> to vector<1264x64xf32>
    %add3A_16 = arith.addf %dot_general3A_12, %add3A : vector<1264x64xf32>
    %max3A = arith.constant 0.000000e+00 : f32
    %max3A_17 = vector.broadcast %max3A : f32 to vector<1264x64xf32>
    %max3A_18 = arith.maximumf %add3A_16, %max3A_17 : vector<1264x64xf32>
    %swap3A_19 = arith.constant 0 : index
    %swap3A_20 = arith.constant 0 : index
    %swap3A_21 = vector.load %arg6[%swap3A_19, %swap3A_20] : memref<1264x64xf32, #tpu.memory_space<vmem>>, vector<1264x64xf32>
    tpu.vector_store %arg6[%swap3A_19, %swap3A_20], %max3A_18 {strides = array<i32>} : memref<1264x64xf32, #tpu.memory_space<vmem>>, vector<1264x64xf32>,
    return
  }
  func.func @transform_0(%arg0: i32) -> (i32, i32) {
    %c0_i32 = arith.constant 0 : i32
    %c0_i32_0 = arith.constant 0 : i32
    return %arg0, %c0_i32 : i32, i32
  }
  func.func @transform_1(%arg0: i32) -> (i32, i32) {
    %c0_i32 = arith.constant 0 : i32
    %c0_i32_0 = arith.constant 0 : i32
    %c0_i32_1 = arith.constant 0 : i32
    return %c0_i32, %c0_i32_0 : i32, i32
  }
  func.func @transform_2(%arg0: i32) -> (i32, i32) {
    %c0_i32 = arith.constant 0 : i32
    %c0_i32_0 = arith.constant 0 : i32
    %c0_i32_1 = arith.constant 0 : i32
    return %c0_i32, %c0_i32_0 : i32, i32
  }
  func.func @transform_3(%arg0: i32) -> (i32, i32) {
    %c0_i32 = arith.constant 0 : i32
    %c0_i32_0 = arith.constant 0 : i32
    %c0_i32_1 = arith.constant 0 : i32
    return %c0_i32, %c0_i32_0 : i32, i32
  }
  func.func @transform_4(%arg0: i32) -> (i32, i32) {
    %c0_i32 = arith.constant 0 : i32
    %c0_i32_0 = arith.constant 0 : i32
    return %arg0, %c0_i32 : i32, i32
  }
  func.func @transform_5(%arg0: i32) -> (i32, i32) {
    %c0_i32 = arith.constant 0 : i32
    %c0_i32_0 = arith.constant 0 : i32
    return %arg0, %c0_i32 : i32, i32
  }
}

module attributes {stable_mosaic.version = 14 : i64} {
  func.func @_tc2_body(%arg0: i32, %arg1: memref<1264x128xf32, #tpu.memory_space<vmem>>, %arg2: memref<1264x128xf32, #tpu.memory_space<vmem>>, %arg3: memref<1264x128xf32, #tpu.memory_space<vmem>>, %arg4: memref<1264x1xf32, #tpu.memory_space<vmem>>, %arg5: memref<1264x128xf32, #tpu.memory_space<vmem>>) attributes {dimension_semantics = [#tpu.dimension_semantics<parallel>], iteration_bounds = array<i64: 8>, scalar_prefetch = 0 : i64, scratch_operands = 0 : i64, tpu.core_type = #tpu.core_type<tc>, window_params = [{transform_indices = @transform_0, window_bounds = array<i64: 1264, 128>}, {transform_indices = @transform_1, window_bounds = array<i64: 1264, 128>}, {transform_indices = @transform_2, window_bounds = array<i64: 1264, 128>}, {transform_indices = @transform_3, window_bounds = array<i64: 1264, 1>}, {transform_indices = @transform_4, window_bounds = array<i64: 1264, 128>}]} {
    %get3A = arith.constant 0 : index
    %get3A_0 = arith.constant 0 : index
    %get3A_1 = vector.load %arg1[%get3A, %get3A_0] : memref<1264x128xf32, #tpu.memory_space<vmem>>, vector<1264x1xf32>
    %get3A_2 = arith.constant 0 : index
    %get3A_3 = arith.constant 0 : index
    %get3A_4 = vector.load %arg2[%get3A_2, %get3A_3] : memref<1264x128xf32, #tpu.memory_space<vmem>>, vector<1264x1xf32>
    %add3A = arith.addf %get3A_1, %get3A_4 : vector<1264x1xf32>
    %add3A_5 = arith.constant 1.000000e+00 : f32
    %add3A_6 = vector.broadcast %add3A_5 : f32 to vector<1264x1xf32>
    %add3A_7 = arith.addf %add3A, %add3A_6 : vector<1264x1xf32>
    %max3A = arith.constant 1.000000e+00 : f32
    %max3A_8 = vector.broadcast %max3A : f32 to vector<1264x1xf32>
    %max3A_9 = arith.maximumf %add3A_7, %max3A_8 : vector<1264x1xf32>
    %sqrt3A = math.sqrt %max3A_9 : vector<1264x1xf32>
    %div3A = arith.constant 1.000000e+00 : f32
    %div3A_10 = vector.broadcast %div3A : f32 to vector<1264x1xf32>
    %div3A_11 = arith.divf %div3A_10, %sqrt3A : vector<1264x1xf32>
    %swap3A = arith.constant 0 : index
    %swap3A_12 = arith.constant 0 : index
    %swap3A_13 = vector.load %arg4[%swap3A, %swap3A_12] : memref<1264x1xf32, #tpu.memory_space<vmem>>, vector<1264x1xf32>
    tpu.vector_store %arg4[%swap3A, %swap3A_12], %div3A_11 {strides = array<i32>} : memref<1264x1xf32, #tpu.memory_space<vmem>>, vector<1264x1xf32>,
    %get3A_14 = arith.constant 0 : index
    %get3A_15 = arith.constant 0 : index
    %get3A_16 = vector.load %arg3[%get3A_14, %get3A_15] : memref<1264x128xf32, #tpu.memory_space<vmem>>, vector<1264x128xf32>
    %mul3A = vector.broadcast %div3A_11 : vector<1264x1xf32> to vector<1264x128xf32>
    %mul3A_17 = arith.mulf %get3A_16, %mul3A : vector<1264x128xf32>
    %swap3A_18 = arith.constant 0 : index
    %swap3A_19 = arith.constant 0 : index
    %swap3A_20 = vector.load %arg5[%swap3A_18, %swap3A_19] : memref<1264x128xf32, #tpu.memory_space<vmem>>, vector<1264x128xf32>
    tpu.vector_store %arg5[%swap3A_18, %swap3A_19], %mul3A_17 {strides = array<i32>} : memref<1264x128xf32, #tpu.memory_space<vmem>>, vector<1264x128xf32>,
    return
  }
  func.func @transform_0(%arg0: i32) -> (i32, i32) {
    %c0_i32 = arith.constant 0 : i32
    %c0_i32_0 = arith.constant 0 : i32
    return %arg0, %c0_i32 : i32, i32
  }
  func.func @transform_1(%arg0: i32) -> (i32, i32) {
    %add3A = arith.constant 8 : i32
    %add3A_0 = arith.addi %arg0, %add3A : i32
    %c0_i32 = arith.constant 0 : i32
    %c0_i32_1 = arith.constant 0 : i32
    return %add3A_0, %c0_i32 : i32, i32
  }
  func.func @transform_2(%arg0: i32) -> (i32, i32) {
    %c0_i32 = arith.constant 0 : i32
    %c0_i32_0 = arith.constant 0 : i32
    return %arg0, %c0_i32 : i32, i32
  }
  func.func @transform_3(%arg0: i32) -> (i32, i32) {
    %c0_i32 = arith.constant 0 : i32
    %c0_i32_0 = arith.constant 0 : i32
    return %arg0, %c0_i32 : i32, i32
  }
  func.func @transform_4(%arg0: i32) -> (i32, i32) {
    %c0_i32 = arith.constant 0 : i32
    %c0_i32_0 = arith.constant 0 : i32
    return %arg0, %c0_i32 : i32, i32
  }
}

module attributes {stable_mosaic.version = 14 : i64} {
  func.func @_tc3_body(%arg0: i32, %arg1: memref<1264x128xf32, #tpu.memory_space<vmem>>, %arg2: memref<1264x128xf32, #tpu.memory_space<vmem>>, %arg3: memref<1264x128xf32, #tpu.memory_space<vmem>>, %arg4: memref<1264x1xf32, #tpu.memory_space<vmem>>, %arg5: memref<1x128xf32, #tpu.memory_space<vmem>>, %arg6: memref<1264x128xf32, #tpu.memory_space<vmem>>) attributes {dimension_semantics = [#tpu.dimension_semantics<parallel>], iteration_bounds = array<i64: 8>, scalar_prefetch = 0 : i64, scratch_operands = 0 : i64, tpu.core_type = #tpu.core_type<tc>, window_params = [{transform_indices = @transform_0, window_bounds = array<i64: 1264, 128>}, {transform_indices = @transform_1, window_bounds = array<i64: 1264, 128>}, {transform_indices = @transform_2, window_bounds = array<i64: 1264, 128>}, {transform_indices = @transform_3, window_bounds = array<i64: 1264, 1>}, {pipeline_mode = #tpu.pipeline_mode<synchronous>, transform_indices = @transform_4, window_bounds = array<i64: 1, 128>}, {transform_indices = @transform_5, window_bounds = array<i64: 1264, 128>}]} {
    %get3A = arith.constant 0 : index
    %get3A_0 = arith.constant 0 : index
    %get3A_1 = vector.load %arg4[%get3A, %get3A_0] : memref<1264x1xf32, #tpu.memory_space<vmem>>, vector<1264x1xf32>
    %get3A_2 = arith.constant 0 : index
    %get3A_3 = arith.constant 0 : index
    %get3A_4 = vector.load %arg1[%get3A_2, %get3A_3] : memref<1264x128xf32, #tpu.memory_space<vmem>>, vector<1264x128xf32>
    %get3A_5 = arith.constant 0 : index
    %get3A_6 = arith.constant 0 : index
    %get3A_7 = vector.load %arg2[%get3A_5, %get3A_6] : memref<1264x128xf32, #tpu.memory_space<vmem>>, vector<1264x128xf32>
    %add3A = arith.addf %get3A_4, %get3A_7 : vector<1264x128xf32>
    %get3A_8 = arith.constant 0 : index
    %get3A_9 = arith.constant 0 : index
    %get3A_10 = vector.load %arg3[%get3A_8, %get3A_9] : memref<1264x128xf32, #tpu.memory_space<vmem>>, vector<1264x128xf32>
    %add3A_11 = arith.addf %add3A, %get3A_10 : vector<1264x128xf32>
    %mul3A = vector.broadcast %get3A_1 : vector<1264x1xf32> to vector<1264x128xf32>
    %mul3A_12 = arith.mulf %mul3A, %add3A_11 : vector<1264x128xf32>
    %get3A_13 = arith.constant 0 : index
    %get3A_14 = arith.constant 0 : index
    %get3A_15 = vector.load %arg5[%get3A_13, %get3A_14] : memref<1x128xf32, #tpu.memory_space<vmem>>, vector<1x128xf32>
    %add3A_16 = vector.broadcast %get3A_15 : vector<1x128xf32> to vector<1264x128xf32>
    %add3A_17 = arith.addf %mul3A_12, %add3A_16 : vector<1264x128xf32>
    %max3A = arith.constant 0.000000e+00 : f32
    %max3A_18 = vector.broadcast %max3A : f32 to vector<1264x128xf32>
    %max3A_19 = arith.maximumf %add3A_17, %max3A_18 : vector<1264x128xf32>
    %mul3A_20 = vector.broadcast %get3A_1 : vector<1264x1xf32> to vector<1264x128xf32>
    %mul3A_21 = arith.mulf %max3A_19, %mul3A_20 : vector<1264x128xf32>
    %swap3A = arith.constant 0 : index
    %swap3A_22 = arith.constant 0 : index
    %swap3A_23 = vector.load %arg6[%swap3A, %swap3A_22] : memref<1264x128xf32, #tpu.memory_space<vmem>>, vector<1264x128xf32>
    tpu.vector_store %arg6[%swap3A, %swap3A_22], %mul3A_21 {strides = array<i32>} : memref<1264x128xf32, #tpu.memory_space<vmem>>, vector<1264x128xf32>,
    return
  }
  func.func @transform_0(%arg0: i32) -> (i32, i32) {
    %c0_i32 = arith.constant 0 : i32
    %c0_i32_0 = arith.constant 0 : i32
    return %arg0, %c0_i32 : i32, i32
  }
  func.func @transform_1(%arg0: i32) -> (i32, i32) {
    %add3A = arith.constant 8 : i32
    %add3A_0 = arith.addi %arg0, %add3A : i32
    %c0_i32 = arith.constant 0 : i32
    %c0_i32_1 = arith.constant 0 : i32
    return %add3A_0, %c0_i32 : i32, i32
  }
  func.func @transform_2(%arg0: i32) -> (i32, i32) {
    %c0_i32 = arith.constant 0 : i32
    %c0_i32_0 = arith.constant 0 : i32
    return %arg0, %c0_i32 : i32, i32
  }
  func.func @transform_3(%arg0: i32) -> (i32, i32) {
    %c0_i32 = arith.constant 0 : i32
    %c0_i32_0 = arith.constant 0 : i32
    return %arg0, %c0_i32 : i32, i32
  }
  func.func @transform_4(%arg0: i32) -> (i32, i32) {
    %c0_i32 = arith.constant 0 : i32
    %c0_i32_0 = arith.constant 0 : i32
    %c0_i32_1 = arith.constant 0 : i32
    return %c0_i32, %c0_i32_0 : i32, i32
  }
  func.func @transform_5(%arg0: i32) -> (i32, i32) {
    %c0_i32 = arith.constant 0 : i32
    %c0_i32_0 = arith.constant 0 : i32
    return %arg0, %c0_i32 : i32, i32
  }
}

module attributes {stable_mosaic.version = 14 : i64} {
  func.func @_tc4_body(%arg0: i32, %arg1: memref<1264x128xf32, #tpu.memory_space<vmem>>, %arg2: memref<1264x128xf32, #tpu.memory_space<vmem>>, %arg3: memref<1264x128xf32, #tpu.memory_space<vmem>>, %arg4: memref<1264x1xf32, #tpu.memory_space<vmem>>, %arg5: memref<1264x64xf32, #tpu.memory_space<vmem>>, %arg6: memref<128x64xf32, #tpu.memory_space<vmem>>, %arg7: memref<1x64xf32, #tpu.memory_space<vmem>>, %arg8: memref<128x64xf32, #tpu.memory_space<vmem>>, %arg9: memref<1x64xf32, #tpu.memory_space<vmem>>, %arg10: memref<64x128xf32, #tpu.memory_space<vmem>>, %arg11: memref<1x128xf32, #tpu.memory_space<vmem>>, %arg12: memref<64x128xf32, #tpu.memory_space<vmem>>, %arg13: memref<1x128xf32, #tpu.memory_space<vmem>>, %arg14: memref<128x16xf32, #tpu.memory_space<vmem>>, %arg15: memref<1x16xf32, #tpu.memory_space<vmem>>, %arg16: memref<1264x64xf32, #tpu.memory_space<vmem>>, %arg17: memref<1264x64xf32, #tpu.memory_space<vmem>>, %arg18: memref<1264x64xf32, #tpu.memory_space<vmem>>, %arg19: memref<1264x128xf32, #tpu.memory_space<vmem>>, %arg20: memref<1264x16xf32, #tpu.memory_space<vmem>>) attributes {dimension_semantics = [#tpu.dimension_semantics<parallel>], iteration_bounds = array<i64: 8>, scalar_prefetch = 0 : i64, scratch_operands = 0 : i64, tpu.core_type = #tpu.core_type<tc>, window_params = [{transform_indices = @transform_0, window_bounds = array<i64: 1264, 128>}, {transform_indices = @transform_1, window_bounds = array<i64: 1264, 128>}, {transform_indices = @transform_2, window_bounds = array<i64: 1264, 128>}, {transform_indices = @transform_3, window_bounds = array<i64: 1264, 1>}, {transform_indices = @transform_4, window_bounds = array<i64: 1264, 64>}, {pipeline_mode = #tpu.pipeline_mode<synchronous>, transform_indices = @transform_5, window_bounds = array<i64: 128, 64>}, {pipeline_mode = #tpu.pipeline_mode<synchronous>, transform_indices = @transform_6, window_bounds = array<i64: 1, 64>}, {pipeline_mode = #tpu.pipeline_mode<synchronous>, transform_indices = @transform_7, window_bounds = array<i64: 128, 64>}, {pipeline_mode = #tpu.pipeline_mode<synchronous>, transform_indices = @transform_8, window_bounds = array<i64: 1, 64>}, {pipeline_mode = #tpu.pipeline_mode<synchronous>, transform_indices = @transform_9, window_bounds = array<i64: 64, 128>}, {pipeline_mode = #tpu.pipeline_mode<synchronous>, transform_indices = @transform_10, window_bounds = array<i64: 1, 128>}, {pipeline_mode = #tpu.pipeline_mode<synchronous>, transform_indices = @transform_11, window_bounds = array<i64: 64, 128>}, {pipeline_mode = #tpu.pipeline_mode<synchronous>, transform_indices = @transform_12, window_bounds = array<i64: 1, 128>}, {pipeline_mode = #tpu.pipeline_mode<synchronous>, transform_indices = @transform_13, window_bounds = array<i64: 128, 16>}, {pipeline_mode = #tpu.pipeline_mode<synchronous>, transform_indices = @transform_14, window_bounds = array<i64: 1, 16>}, {transform_indices = @transform_15, window_bounds = array<i64: 1264, 64>}, {transform_indices = @transform_16, window_bounds = array<i64: 1264, 64>}, {transform_indices = @transform_17, window_bounds = array<i64: 1264, 64>}, {transform_indices = @transform_18, window_bounds = array<i64: 1264, 128>}, {transform_indices = @transform_19, window_bounds = array<i64: 1264, 16>}]} {
    %get3A = arith.constant 0 : index
    %get3A_0 = arith.constant 0 : index
    %get3A_1 = vector.load %arg4[%get3A, %get3A_0] : memref<1264x1xf32, #tpu.memory_space<vmem>>, vector<1264x1xf32>
    %get3A_2 = arith.constant 0 : index
    %get3A_3 = arith.constant 0 : index
    %get3A_4 = vector.load %arg1[%get3A_2, %get3A_3] : memref<1264x128xf32, #tpu.memory_space<vmem>>, vector<1264x128xf32>
    %get3A_5 = arith.constant 0 : index
    %get3A_6 = arith.constant 0 : index
    %get3A_7 = vector.load %arg2[%get3A_5, %get3A_6] : memref<1264x128xf32, #tpu.memory_space<vmem>>, vector<1264x128xf32>
    %add3A = arith.addf %get3A_4, %get3A_7 : vector<1264x128xf32>
    %get3A_8 = arith.constant 0 : index
    %get3A_9 = arith.constant 0 : index
    %get3A_10 = vector.load %arg3[%get3A_8, %get3A_9] : memref<1264x128xf32, #tpu.memory_space<vmem>>, vector<1264x128xf32>
    %add3A_11 = arith.addf %add3A, %get3A_10 : vector<1264x128xf32>
    %mul3A = vector.broadcast %get3A_1 : vector<1264x1xf32> to vector<1264x128xf32>
    %mul3A_12 = arith.mulf %mul3A, %add3A_11 : vector<1264x128xf32>
    %get3A_13 = arith.constant 0 : index
    %get3A_14 = arith.constant 0 : index
    %get3A_15 = vector.load %arg6[%get3A_13, %get3A_14] : memref<128x64xf32, #tpu.memory_space<vmem>>, vector<128x64xf32>
    %dot_general3A = arith.constant dense<0.000000e+00> : vector<1264x64xf32>
    %dot_general3A_16 = tpu.matmul %mul3A_12, %get3A_15, %dot_general3A {dimension_numbers = #tpu.dot_dimension_numbers<[1], [0], [0], [1], [0, 0, 1, 1], [], []>, transpose_lhs_hint = false} : vector<1264x128xf32>, vector<128x64xf32>, vector<1264x64xf32> -> vector<1264x64xf32>
    %get3A_17 = arith.constant 0 : index
    %get3A_18 = arith.constant 0 : index
    %get3A_19 = vector.load %arg7[%get3A_17, %get3A_18] : memref<1x64xf32, #tpu.memory_space<vmem>>, vector<1x64xf32>
    %add3A_20 = vector.broadcast %get3A_19 : vector<1x64xf32> to vector<1264x64xf32>
    %add3A_21 = arith.addf %dot_general3A_16, %add3A_20 : vector<1264x64xf32>
    %swap3A = arith.constant 0 : index
    %swap3A_22 = arith.constant 0 : index
    %swap3A_23 = vector.load %arg16[%swap3A, %swap3A_22] : memref<1264x64xf32, #tpu.memory_space<vmem>>, vector<1264x64xf32>
    tpu.vector_store %arg16[%swap3A, %swap3A_22], %add3A_21 {strides = array<i32>} : memref<1264x64xf32, #tpu.memory_space<vmem>>, vector<1264x64xf32>,
    %get3A_24 = arith.constant 0 : index
    %get3A_25 = arith.constant 0 : index
    %get3A_26 = vector.load %arg8[%get3A_24, %get3A_25] : memref<128x64xf32, #tpu.memory_space<vmem>>, vector<128x64xf32>
    %dot_general3A_27 = arith.constant dense<0.000000e+00> : vector<1264x64xf32>
    %dot_general3A_28 = tpu.matmul %mul3A_12, %get3A_26, %dot_general3A_27 {dimension_numbers = #tpu.dot_dimension_numbers<[1], [0], [0], [1], [0, 0, 1, 1], [], []>, transpose_lhs_hint = false} : vector<1264x128xf32>, vector<128x64xf32>, vector<1264x64xf32> -> vector<1264x64xf32>
    %get3A_29 = arith.constant 0 : index
    %get3A_30 = arith.constant 0 : index
    %get3A_31 = vector.load %arg9[%get3A_29, %get3A_30] : memref<1x64xf32, #tpu.memory_space<vmem>>, vector<1x64xf32>
    %add3A_32 = vector.broadcast %get3A_31 : vector<1x64xf32> to vector<1264x64xf32>
    %add3A_33 = arith.addf %dot_general3A_28, %add3A_32 : vector<1264x64xf32>
    %swap3A_34 = arith.constant 0 : index
    %swap3A_35 = arith.constant 0 : index
    %swap3A_36 = vector.load %arg17[%swap3A_34, %swap3A_35] : memref<1264x64xf32, #tpu.memory_space<vmem>>, vector<1264x64xf32>
    tpu.vector_store %arg17[%swap3A_34, %swap3A_35], %add3A_33 {strides = array<i32>} : memref<1264x64xf32, #tpu.memory_space<vmem>>, vector<1264x64xf32>,
    %get3A_37 = arith.constant 0 : index
    %get3A_38 = arith.constant 0 : index
    %get3A_39 = vector.load %arg5[%get3A_37, %get3A_38] : memref<1264x64xf32, #tpu.memory_space<vmem>>, vector<1264x64xf32>
    %add3A_40 = arith.addf %add3A_21, %get3A_39 : vector<1264x64xf32>
    %swap3A_41 = arith.constant 0 : index
    %swap3A_42 = arith.constant 0 : index
    %swap3A_43 = vector.load %arg18[%swap3A_41, %swap3A_42] : memref<1264x64xf32, #tpu.memory_space<vmem>>, vector<1264x64xf32>
    tpu.vector_store %arg18[%swap3A_41, %swap3A_42], %add3A_40 {strides = array<i32>} : memref<1264x64xf32, #tpu.memory_space<vmem>>, vector<1264x64xf32>,
    %get3A_44 = arith.constant 0 : index
    %get3A_45 = arith.constant 0 : index
    %get3A_46 = vector.load %arg10[%get3A_44, %get3A_45] : memref<64x128xf32, #tpu.memory_space<vmem>>, vector<64x128xf32>
    %dot_general3A_47 = arith.constant dense<0.000000e+00> : vector<1264x128xf32>
    %dot_general3A_48 = tpu.matmul %add3A_21, %get3A_46, %dot_general3A_47 {dimension_numbers = #tpu.dot_dimension_numbers<[1], [0], [0], [1], [0, 0, 1, 1], [], []>, transpose_lhs_hint = false} : vector<1264x64xf32>, vector<64x128xf32>, vector<1264x128xf32> -> vector<1264x128xf32>
    %get3A_49 = arith.constant 0 : index
    %get3A_50 = arith.constant 0 : index
    %get3A_51 = vector.load %arg11[%get3A_49, %get3A_50] : memref<1x128xf32, #tpu.memory_space<vmem>>, vector<1x128xf32>
    %add3A_52 = vector.broadcast %get3A_51 : vector<1x128xf32> to vector<1264x128xf32>
    %add3A_53 = arith.addf %dot_general3A_48, %add3A_52 : vector<1264x128xf32>
    %swap3A_54 = arith.constant 0 : index
    %swap3A_55 = arith.constant 0 : index
    %swap3A_56 = vector.load %arg19[%swap3A_54, %swap3A_55] : memref<1264x128xf32, #tpu.memory_space<vmem>>, vector<1264x128xf32>
    tpu.vector_store %arg19[%swap3A_54, %swap3A_55], %add3A_53 {strides = array<i32>} : memref<1264x128xf32, #tpu.memory_space<vmem>>, vector<1264x128xf32>,
    %get3A_57 = arith.constant 0 : index
    %get3A_58 = arith.constant 0 : index
    %get3A_59 = vector.load %arg12[%get3A_57, %get3A_58] : memref<64x128xf32, #tpu.memory_space<vmem>>, vector<64x128xf32>
    %dot_general3A_60 = arith.constant dense<0.000000e+00> : vector<1264x128xf32>
    %dot_general3A_61 = tpu.matmul %add3A_21, %get3A_59, %dot_general3A_60 {dimension_numbers = #tpu.dot_dimension_numbers<[1], [0], [0], [1], [0, 0, 1, 1], [], []>, transpose_lhs_hint = false} : vector<1264x64xf32>, vector<64x128xf32>, vector<1264x128xf32> -> vector<1264x128xf32>
    %get3A_62 = arith.constant 0 : index
    %get3A_63 = arith.constant 0 : index
    %get3A_64 = vector.load %arg13[%get3A_62, %get3A_63] : memref<1x128xf32, #tpu.memory_space<vmem>>, vector<1x128xf32>
    %add3A_65 = vector.broadcast %get3A_64 : vector<1x128xf32> to vector<1264x128xf32>
    %add3A_66 = arith.addf %dot_general3A_61, %add3A_65 : vector<1264x128xf32>
    %max3A = arith.constant 0.000000e+00 : f32
    %max3A_67 = vector.broadcast %max3A : f32 to vector<1264x128xf32>
    %max3A_68 = arith.maximumf %add3A_66, %max3A_67 : vector<1264x128xf32>
    %get3A_69 = arith.constant 0 : index
    %get3A_70 = arith.constant 0 : index
    %get3A_71 = vector.load %arg14[%get3A_69, %get3A_70] : memref<128x16xf32, #tpu.memory_space<vmem>>, vector<128x16xf32>
    %dot_general3A_72 = arith.constant dense<0.000000e+00> : vector<1264x16xf32>
    %dot_general3A_73 = tpu.matmul %max3A_68, %get3A_71, %dot_general3A_72 {dimension_numbers = #tpu.dot_dimension_numbers<[1], [0], [0], [1], [0, 0, 1, 1], [], []>, transpose_lhs_hint = false} : vector<1264x128xf32>, vector<128x16xf32>, vector<1264x16xf32> -> vector<1264x16xf32>
    %get3A_74 = arith.constant 0 : index
    %get3A_75 = arith.constant 0 : index
    %get3A_76 = vector.load %arg15[%get3A_74, %get3A_75] : memref<1x16xf32, #tpu.memory_space<vmem>>, vector<1x16xf32>
    %add3A_77 = vector.broadcast %get3A_76 : vector<1x16xf32> to vector<1264x16xf32>
    %add3A_78 = arith.addf %dot_general3A_73, %add3A_77 : vector<1264x16xf32>
    %swap3A_79 = arith.constant 0 : index
    %swap3A_80 = arith.constant 0 : index
    %swap3A_81 = vector.load %arg20[%swap3A_79, %swap3A_80] : memref<1264x16xf32, #tpu.memory_space<vmem>>, vector<1264x16xf32>
    tpu.vector_store %arg20[%swap3A_79, %swap3A_80], %add3A_78 {strides = array<i32>} : memref<1264x16xf32, #tpu.memory_space<vmem>>, vector<1264x16xf32>,
    return
  }
  func.func @transform_0(%arg0: i32) -> (i32, i32) {
    %c0_i32 = arith.constant 0 : i32
    %c0_i32_0 = arith.constant 0 : i32
    return %arg0, %c0_i32 : i32, i32
  }
  func.func @transform_1(%arg0: i32) -> (i32, i32) {
    %add3A = arith.constant 8 : i32
    %add3A_0 = arith.addi %arg0, %add3A : i32
    %c0_i32 = arith.constant 0 : i32
    %c0_i32_1 = arith.constant 0 : i32
    return %add3A_0, %c0_i32 : i32, i32
  }
  func.func @transform_2(%arg0: i32) -> (i32, i32) {
    %c0_i32 = arith.constant 0 : i32
    %c0_i32_0 = arith.constant 0 : i32
    return %arg0, %c0_i32 : i32, i32
  }
  func.func @transform_3(%arg0: i32) -> (i32, i32) {
    %c0_i32 = arith.constant 0 : i32
    %c0_i32_0 = arith.constant 0 : i32
    return %arg0, %c0_i32 : i32, i32
  }
  func.func @transform_4(%arg0: i32) -> (i32, i32) {
    %c0_i32 = arith.constant 0 : i32
    %c0_i32_0 = arith.constant 0 : i32
    return %arg0, %c0_i32 : i32, i32
  }
  func.func @transform_5(%arg0: i32) -> (i32, i32) {
    %c0_i32 = arith.constant 0 : i32
    %c0_i32_0 = arith.constant 0 : i32
    %c0_i32_1 = arith.constant 0 : i32
    return %c0_i32, %c0_i32_0 : i32, i32
  }
  func.func @transform_6(%arg0: i32) -> (i32, i32) {
    %c0_i32 = arith.constant 0 : i32
    %c0_i32_0 = arith.constant 0 : i32
    %c0_i32_1 = arith.constant 0 : i32
    return %c0_i32, %c0_i32_0 : i32, i32
  }
  func.func @transform_7(%arg0: i32) -> (i32, i32) {
    %c0_i32 = arith.constant 0 : i32
    %c0_i32_0 = arith.constant 0 : i32
    %c0_i32_1 = arith.constant 0 : i32
    return %c0_i32, %c0_i32_0 : i32, i32
  }
  func.func @transform_8(%arg0: i32) -> (i32, i32) {
    %c0_i32 = arith.constant 0 : i32
    %c0_i32_0 = arith.constant 0 : i32
    %c0_i32_1 = arith.constant 0 : i32
    return %c0_i32, %c0_i32_0 : i32, i32
  }
  func.func @transform_9(%arg0: i32) -> (i32, i32) {
    %c0_i32 = arith.constant 0 : i32
    %c0_i32_0 = arith.constant 0 : i32
    %c0_i32_1 = arith.constant 0 : i32
    return %c0_i32, %c0_i32_0 : i32, i32
  }
  func.func @transform_10(%arg0: i32) -> (i32, i32) {
    %c0_i32 = arith.constant 0 : i32
    %c0_i32_0 = arith.constant 0 : i32
    %c0_i32_1 = arith.constant 0 : i32
    return %c0_i32, %c0_i32_0 : i32, i32
  }
  func.func @transform_11(%arg0: i32) -> (i32, i32) {
    %c0_i32 = arith.constant 0 : i32
    %c0_i32_0 = arith.constant 0 : i32
    %c0_i32_1 = arith.constant 0 : i32
    return %c0_i32, %c0_i32_0 : i32, i32
  }
  func.func @transform_12(%arg0: i32) -> (i32, i32) {
    %c0_i32 = arith.constant 0 : i32
    %c0_i32_0 = arith.constant 0 : i32
    %c0_i32_1 = arith.constant 0 : i32
    return %c0_i32, %c0_i32_0 : i32, i32
  }
  func.func @transform_13(%arg0: i32) -> (i32, i32) {
    %c0_i32 = arith.constant 0 : i32
    %c0_i32_0 = arith.constant 0 : i32
    %c0_i32_1 = arith.constant 0 : i32
    return %c0_i32, %c0_i32_0 : i32, i32
  }
  func.func @transform_14(%arg0: i32) -> (i32, i32) {
    %c0_i32 = arith.constant 0 : i32
    %c0_i32_0 = arith.constant 0 : i32
    %c0_i32_1 = arith.constant 0 : i32
    return %c0_i32, %c0_i32_0 : i32, i32
  }
  func.func @transform_15(%arg0: i32) -> (i32, i32) {
    %c0_i32 = arith.constant 0 : i32
    %c0_i32_0 = arith.constant 0 : i32
    return %arg0, %c0_i32 : i32, i32
  }
  func.func @transform_16(%arg0: i32) -> (i32, i32) {
    %c0_i32 = arith.constant 0 : i32
    %c0_i32_0 = arith.constant 0 : i32
    return %arg0, %c0_i32 : i32, i32
  }
  func.func @transform_17(%arg0: i32) -> (i32, i32) {
    %c0_i32 = arith.constant 0 : i32
    %c0_i32_0 = arith.constant 0 : i32
    return %arg0, %c0_i32 : i32, i32
  }
  func.func @transform_18(%arg0: i32) -> (i32, i32) {
    %c0_i32 = arith.constant 0 : i32
    %c0_i32_0 = arith.constant 0 : i32
    return %arg0, %c0_i32 : i32, i32
  }
  func.func @transform_19(%arg0: i32) -> (i32, i32) {
    %c0_i32 = arith.constant 0 : i32
    %c0_i32_0 = arith.constant 0 : i32
    return %arg0, %c0_i32 : i32, i32
  }
}

module attributes {stable_mosaic.version = 14 : i64} {
  func.func @_tc5_body(%arg0: i32, %arg1: memref<200x64xf32, #tpu.memory_space<vmem>>, %arg2: memref<10000x64xf32, #tpu.memory_space<vmem>>, %arg3: memref<200x10000xf32, #tpu.memory_space<vmem>>) attributes {dimension_semantics = [#tpu.dimension_semantics<parallel>], iteration_bounds = array<i64: 50>, scalar_prefetch = 0 : i64, scratch_operands = 0 : i64, tpu.core_type = #tpu.core_type<tc>, window_params = [{transform_indices = @transform_0, window_bounds = array<i64: 200, 64>}, {pipeline_mode = #tpu.pipeline_mode<synchronous>, transform_indices = @transform_1, window_bounds = array<i64: 10000, 64>}, {transform_indices = @transform_2, window_bounds = array<i64: 200, 10000>}]} {
    %get3A = arith.constant 0 : index
    %get3A_0 = arith.constant 0 : index
    %get3A_1 = vector.load %arg1[%get3A, %get3A_0] : memref<200x64xf32, #tpu.memory_space<vmem>>, vector<200x64xf32>
    %get3A_2 = arith.constant 0 : index
    %get3A_3 = arith.constant 0 : index
    %get3A_4 = vector.load %arg2[%get3A_2, %get3A_3] : memref<10000x64xf32, #tpu.memory_space<vmem>>, vector<10000x64xf32>
    %dot_general3A = arith.constant dense<0.000000e+00> : vector<200x10000xf32>
    %dot_general3A_5 = tpu.matmul %get3A_1, %get3A_4, %dot_general3A {dimension_numbers = #tpu.dot_dimension_numbers<[1], [1], [0], [0], [0, 0, 1, 0], [], []>, transpose_lhs_hint = false} : vector<200x64xf32>, vector<10000x64xf32>, vector<200x10000xf32> -> vector<200x10000xf32>
    %logistic3A = arith.negf %dot_general3A_5 : vector<200x10000xf32>
    %logistic3A_6 = math.exp %logistic3A : vector<200x10000xf32>
    %logistic3A_7 = arith.constant 1.000000e+00 : f32
    %logistic3A_8 = vector.broadcast %logistic3A_7 : f32 to vector<200x10000xf32>
    %logistic3A_9 = arith.addf %logistic3A_8, %logistic3A_6 : vector<200x10000xf32>
    %logistic3A_10 = arith.divf %logistic3A_8, %logistic3A_9 : vector<200x10000xf32>
    %swap3A = arith.constant 0 : index
    %swap3A_11 = arith.constant 0 : index
    %swap3A_12 = vector.load %arg3[%swap3A, %swap3A_11] : memref<200x10000xf32, #tpu.memory_space<vmem>>, vector<200x10000xf32>
    tpu.vector_store %arg3[%swap3A, %swap3A_11], %logistic3A_10 {strides = array<i32>} : memref<200x10000xf32, #tpu.memory_space<vmem>>, vector<200x10000xf32>,
    return
  }
  func.func @transform_0(%arg0: i32) -> (i32, i32) {
    %c0_i32 = arith.constant 0 : i32
    %c0_i32_0 = arith.constant 0 : i32
    return %arg0, %c0_i32 : i32, i32
  }
  func.func @transform_1(%arg0: i32) -> (i32, i32) {
    %c0_i32 = arith.constant 0 : i32
    %c0_i32_0 = arith.constant 0 : i32
    %c0_i32_1 = arith.constant 0 : i32
    return %c0_i32, %c0_i32_0 : i32, i32
  }
  func.func @transform_2(%arg0: i32) -> (i32, i32) {
    %c0_i32 = arith.constant 0 : i32
    %c0_i32_0 = arith.constant 0 : i32
    return %arg0, %c0_i32 : i32, i32
  }
}

</mosaic_0001>

<sc_bundles>
// kernel: kernel.10.cloned.1.call-start
scs
__scs_entry_jumppad:
0x0: {  	(pc) =	sbr.rel $0x88, $3  }
0x1: {  	(tag) =	ssettag $0x0;
	lr =	simm.s32 $0x1  }
0x2: {  	[smem:$0x3F91] =	sst lr;
	_ =	strace $0xD0000000  }
0x3: {  	_ = 	snop  }
0x4: {  	_ = 	snop  }
0x5: {  	_ = 	snop  }
0x6: {  	_ = 	snop  }
0x7: {  	_ = 	snop  }
__scs_overlays_trampoline_lowered:
0x8: {  	[smem:$0x3FA0] =	sst s0  }
0x9: {  	[smem:$0x3FA1] =	sst s1  }
0xa: {  	[smem:$0x3FA2] =	sst s2  }
0xb: {  	[smem:$0x3FA3] =	sst s3  }
0xc: {  	[smem:$0x3FA4] =	sst s4  }
0xd: {  	[smem:$0x3FA5] =	sst s5  }
0xe: {  	[smem:$0x3FA6] =	sst s6  }
0xf: {  	[smem:$0x3FA7] =	sst s7  }
0x10: {  	[smem:$0x3FA8] =	sst s8  }
0x11: {  	[smem:$0x3FA9] =	sst s9;
	s0 =	simm.s32 @!p0 $0x0  }
0x12: {  	s1 =	sld [smem:$0x3F8F];
	s0 =	simm.s32 @p0 $0x1  }
0x13: {  	[smem:$0x3FAA] =	sst s0;
	s0 =	simm.s32 @!p1 $0x0  }
0x14: {  	s2 =	sld [smem:$0x3F8E];
	s0 =	simm.s32 @p1 $0x1  }
0x15: {  	[smem:$0x3FAB] =	sst s0;
	s0 =	simm.s32 @!p2 $0x0  }
0x16: {  	s3 =	sld [smem:$0x3FDB];
	s0 =	simm.s32 @p2 $0x1  }
0x17: {  	s4 =	simm.s32 $0x1BF5;
	[smem:$0x3FAD] =	sst s0  }
0x18: {  	s0 =	sld [smem:$0x3F90];
	_ =	swait.ge [sflag:s4], $0x0  }
0x19: {  	s7 =	sld [smem:$0x3F91]  }
0x1a: {  	s8 =	sadd.s32 $0xFFFFE003, lr  }
0x1b: {  	s9 =	sadd.s32 $0xFFFFFEF7, lr;
	s5 =	simm.s32 $0xFFFFFFFF;
	p2 =	slt.u32 s8, $0xFFFFF086  }
0x1c: {  	p1 =	slt.u32 s9, $0xF7A;
	s5 =	simm.s32 @!p2 $0x0  }
0x1d: {  	s5 =	simm.s32 @p1 $0x1;
	p0 =	seq.s32 s7, s2  }
0x1e: {  	s7 =	smul.u32 @!p0 $0xF7A, s2;
	p2 =	seq.s32 @!p0 s5, $0x0  }
0x1f: {  	s9 =	smul.u32 $0xF7A, s1;
	s8 =	simm.s32 @!p0 $0x1BF5;
	p2 =	por !p2, p0  }
0x20: {  	[sflag:s8] =	ssyncset.s32 @!p0 $0xFFFFF086;
	s6 =	sadd.s32 @!p0 s3, s7;
	s7 =	simm.s32 @!p0 $0x108  }
0x21: {  	s3 =	sadd.s32 s3, s9;
	s6 =	sadd.s32 @!p0 $0x88, s6;
	s7 =	simm.s32 @p2 $0x1082  }
0x22: {  	[simem:s7], [sflag:s8] =	dma.local @!p0 [hbm:s6], $0xF7A  }
0x23: {  	s9 =	sor.u32 $0xD0000000, s2;
	s6 =	simm.s32 $0x108;
	_ =	swait.ge @!p0 [sflag:s8], $0x0  }
0x24: {  	s3 =	sadd.s32 $0x88, s3;
	s6 =	simm.s32 @!p1 $0x1082;
	[sflag:s4] =	ssyncset.s32 $0xFFFFF086  }
0x25: {  	[simem:s6], [sflag:s4] =	dma.local [hbm:s3], $0xF7A  }
0x26: {  	[smem:$0x3F91] =	sst s1;
	(tag) =	ssettag s2;
	_ =	strace s9  }
0x27: {  	s1 =	sld [smem:$0x3FA1]  }
0x28: {  	s2 =	sld [smem:$0x3FA2]  }
0x29: {  	s4 =	sld [smem:$0x3FA4]  }
0x2a: {  	p0 =	seq.s32 s5, $0x0;
	s5 =	sld [smem:$0x3FA5]  }
0x2b: {  	s6 =	sld [smem:$0x3FA6]  }
0x2c: {  	s7 =	sld [smem:$0x3FA7]  }
0x2d: {  	s3 =	simm.s32 $0x108;
	s8 =	sld [smem:$0x3FA8]  }
0x2e: {  	s3 =	simm.s32 @!p0 $0x1082;
	s9 =	sld [smem:$0x3FA9]  }
0x2f: {  	lr =	sadd.s32 s0, s3;
	s0 =	sld [smem:$0x3FA0]  }
0x30: {  	s3 =	sld [smem:$0x3FA3]  }
0x31: {  	[smem:$0x3FAC] =	sst s10  }
0x32: {  	s10 =	sld [smem:$0x3FAA];
	_ =	sdelay $0x3  }
0x33: {  	p0 =	seq.s32 s10, $0x1;
	s10 =	sld [smem:$0x3FAC];
	_ =	sdelay $0x3  }
0x34: {  	[smem:$0x3FAC] =	sst s10  }
0x35: {  	s10 =	sld [smem:$0x3FAB];
	_ =	sdelay $0x3  }
0x36: {  	p1 =	seq.s32 s10, $0x1;
	s10 =	sld [smem:$0x3FAC];
	_ =	sdelay $0x3  }
0x37: {  	[smem:$0x3FAC] =	sst s10  }
0x38: {  	s10 =	sld [smem:$0x3FAD]  }
0x39: {  	_ = 	snop;
	(pc) =	sbr.ind lr, $3  }
0x3a: {  	_ = 	snop  }
0x3b: {  	_ = 	snop  }
0x3c: {  	p2 =	seq.s32 s10, $0x1;
	s10 =	sld [smem:$0x3FAC]  }
0x3d: {  	_ =	shalt  }
0x3e: {  	_ =	shalt  }
0x3f: {  	_ =	shalt  }
0x40: {  	_ =	shalt  }
0x41: {  	_ =	shalt  }
0x42: {  	_ =	shalt  }
0x43: {  	_ =	shalt  }
0x44: {  	_ =	shalt  }
0x45: {  	_ =	shalt  }
0x46: {  	_ =	shalt  }
0x47: {  	_ =	shalt  }
0x48: {  	_ =	shalt  }
0x49: {  	_ =	shalt  }
0x4a: {  	_ =	shalt  }
0x4b: {  	_ =	shalt  }
0x4c: {  	_ =	shalt  }
0x4d: {  	_ =	shalt  }
0x4e: {  	_ =	shalt  }
0x4f: {  	_ =	shalt  }
0x50: {  	_ =	shalt  }
0x51: {  	_ =	shalt  }
0x52: {  	_ =	shalt  }
0x53: {  	_ =	shalt  }
0x54: {  	_ =	shalt  }
0x55: {  	_ =	shalt  }
0x56: {  	_ =	shalt  }
0x57: {  	_ =	shalt  }
0x58: {  	_ =	shalt  }
0x59: {  	_ =	shalt  }
0x5a: {  	_ =	shalt  }
0x5b: {  	_ =	shalt  }
0x5c: {  	_ =	shalt  }
0x5d: {  	_ =	shalt  }
0x5e: {  	_ =	shalt  }
0x5f: {  	_ =	shalt  }
0x60: {  	_ =	shalt  }
0x61: {  	_ =	shalt  }
0x62: {  	_ =	shalt  }
0x63: {  	_ =	shalt  }
0x64: {  	_ =	shalt  }
0x65: {  	_ =	shalt  }
0x66: {  	_ =	shalt  }
0x67: {  	_ =	shalt  }
0x68: {  	_ =	shalt  }
0x69: {  	_ =	shalt  }
0x6a: {  	_ =	shalt  }
0x6b: {  	_ =	shalt  }
0x6c: {  	_ =	shalt  }
0x6d: {  	_ =	shalt  }
0x6e: {  	_ =	shalt  }
0x6f: {  	_ =	shalt  }
0x70: {  	_ =	shalt  }
0x71: {  	_ =	shalt  }
0x72: {  	_ =	shalt  }
0x73: {  	_ =	shalt  }
0x74: {  	_ =	shalt  }
0x75: {  	_ =	shalt  }
0x76: {  	_ =	shalt  }
0x77: {  	_ =	shalt  }
0x78: {  	_ =	shalt  }
0x79: {  	_ =	shalt  }
0x7a: {  	_ =	shalt  }
0x7b: {  	_ =	shalt  }
0x7c: {  	_ =	shalt  }
0x7d: {  	_ =	shalt  }
0x7e: {  	_ =	shalt  }
0x7f: {  	_ =	shalt  }
0x80: {  	_ =	shalt  }
0x81: {  	_ =	shalt  }
0x82: {  	_ =	shalt  }
0x83: {  	_ =	shalt  }
0x84: {  	_ =	shalt  }
0x85: {  	_ =	shalt  }
0x86: {  	_ =	shalt  }
0x87: {  	_ =	shalt  }
.Lfunc_end0:
.L_simem_size_0:
called_computation_lowered:
.L_overlay_start_0:
0x88: {  	s2 =	sld [smem:$0x3FD9]  }
0x89: {  	s3 =	sld [smem:$0x3FFE];
	_ =	sdelay $0x1  }
0x8a: {  	s1 =	srdreg.scid  }
0x8b: {  	s0 =	sand.u32 $0x1, s1  }
0x8c: {  	s15 =	sshll.u32 s0, $0xA;
	s2 =	sadd.s32 s3, s2  }
0x8d: {  	s2 =	sadd.s32 s2, s15  }
0x8e: {  	[smem:$0x3FB8] =	sst s2  }
0x8f: {  	_ = 	snop  }
0x90: {  	s2 =	sld [smem:$0x3FD0];
	_ =	sdelay $0x2  }
0x91: {  	s16 =	simm.s32 $0xA;
	s4 =	simm.s32 $0x10  }
0x92: {  	[smem:s4], [sflag:s16] =	dma.local [hbm:s2], $0x1  }
0x93: {  	_ =	swait.eq [sflag:s16], $0x1  }
0x94: {  	s17 =	sld [smem:$0x10]  }
0x95: {  	s18 =	sld [smem:$0x11];
	[sflag:s16] =	ssyncset.done $0x0  }
0x96: {  	s5 =	sld [smem:$0x13];
	[sflag:s16] =	ssyncadd.s32 $0xFFFFFFFF  }
0x97: {  	s19 =	sld [smem:$0x15];
	(tm) =	ssettm $0x1  }
0x98: {  	s6 =	sld [smem:$0x3FFB];
	_ =	sdelay $0x3  }
0x99: {  	_ =	strace s6  }
0x9a: {  	s6 =	sld [smem:$0x3FFC];
	_ =	sdelay $0x3  }
0x9b: {  	_ =	strace s6  }
0x9c: {  	s6 =	sld [smem:$0x3FFD];
	_ =	sdelay $0x3  }
0x9d: {  	_ =	strace s6  }
0x9e: {  	_ =	strace $0x8FFFFFFF  }
0x9f: {  	s20 =	sld [smem:$0x3FDB];
	_ =	sdelay $0x1  }
0xa0: {  	s7 =	simm.s32 $_scs_section_size  }
0xa1: {  	s8 =	simm.s32 $_size__tile_overlayer_lowered;
	s9 =	simm.s32 $_tile_overlayer_lowered  }
0xa2: {  	s23 =	simm.s32 $0x1BFF;
	s22 =	sshll.u32 s9, $0x1;
	s6 =	sadd.s32 s7, s20  }
0xa3: {  	s10 =	simm.s32 $0x0;
	s21 =	sshll.u32 s8, $0x1;
	s8 =	sadd.s32 s22, s6  }
0xa4: {  	[timem:s10], [sflag:s23] =	dma.local [hbm:s8], s21  }
0xa5: {  	_ =	swait.ge [sflag:s23], s21  }
0xa6: {  	s7 =	ssub.s32 $0x0, s21;
	[sflag:s23] =	ssyncset.done $0x0  }
0xa7: {  	[sflag:s23] =	ssyncadd.s32 s7;
	_ =	sdelay $0x1  }
0xa8: {  	s24 =	simm.s32 $0x1B8B  }
0xa9: {  	_ =	swait.ge [sflag:s24], $0x1  }
0xaa: {  	[sflag:s24] =	ssyncset.done $0x0  }
0xab: {  	s25 =	simm.s32 $0x1B8E;
	[sflag:s24] =	ssyncadd.s32 $0xFFFFFFFF  }
0xac: {  	s26 =	simm.s32 $execute0_lowered;
	[smem:$0x3FD2] =	sst s25  }
0xad: {  	s7 =	sshll.u32 s26, $0x1;
	_ =	strace $0x80000046;
	[dreg:$0x1] =	wrdreg $0xFFFFFFFF  }
0xae: {  	s28 =	simm.s32 $_size_execute0_lowered;
	s6 =	sadd.s32 s6, s7;
	[dreg:$0x0] =	wrdreg $0x0  }
0xaf: {  	s7 =	sshll.u32 s28, $0x1;
	[dreg:$0x2] =	wrdreg s6  }
0xb0: {  	[dreg:$0x3] =	wrdreg s7  }
0xb1: {  	[dreg:$0x4] =	wrdreg $0xC0  }
0xb2: {  	_ =	task [dreg:s10], $0x5FFFF  }
0xb3: {  	[dreg:$0x1] =	wrdreg $0xFFFFFFFF  }
0xb4: {  	[dreg:$0x0] =	wrdreg $0x60  }
0xb5: {  	[dreg:$0x2] =	wrdreg s18  }
0xb6: {  	[dreg:$0x3] =	wrdreg s17  }
0xb7: {  	[dreg:$0x4] =	wrdreg s19  }
0xb8: {  	[dreg:$0x5] =	wrdreg s5  }
0xb9: {  	[dreg:$0x6] =	wrdreg $0x54000  }
0xba: {  	[dreg:$0x7] =	wrdreg $0x9  }
0xbb: {  	_ =	task.clear_ibuf [dreg:s10], $0x8FFFF;
	_ =	strace $0x90000046  }
0xbc: {  	s29 =	simm.s32 $0x9;
	_ =	strace $0x80000048  }
0xbd: {  	_ =	swait.ge [sflag:s29], $0x1  }
0xbe: {  	[sflag:s29] =	ssyncadd.s32 $0xFFFFFFFF  }
0xbf: {  	_ =	strace $0x90000048  }
0xc0: {  	_ =	sfence  }
0xc1: {  	s30 =	sld [smem:$0x0];
	_ =	sdelay $0x2  }
0xc2: {  	s31 =	sshll.u32 s1, $0xD;
	s1 =	sshrl.u32 s1, $0x2  }
0xc3: {  	s3 =	sand.u32 $0x4000, s31;
	s1 =	sadd.s32 s1, s30  }
0xc4: {  	s0 =	sor.u32 s3, s0;
	s1 =	sshll.u32 s1, $0x11  }
0xc5: {  	s0 =	sor.u32 s1, s0  }
0xc6: {  	s0 =	sadd.s32 $0x8F2B, s0  }
0xc7: {  	[sflag:s0] =	ssyncadd.remote.s32 $0x1  }
0xc8: {  	_ =	sfence.sel $0xFFFF  }
0xc9: {  	[dreg:$0x0] =	wrdreg $0xFFFFFFFF;
	(pc) =	sbr.abs _section_cstart, $3  }
0xca: {  	[dreg:$0x1] =	wrdreg $0xFFFFFFFF  }
0xcb: {  	_ =	task.clear_ibuf [dreg:s10], $0x2FFFF;
	_ =	strace $0x9FFFFFFF  }
0xcc: {  	(tm) =	ssettm $0x7FFFFFFF  }
0xcd: {  	_ =	shalt  }
tec
execute0_lowered:
.L_overlay_start_1:
0x0: {  	(tag) =	ssettag $0x1  }
0x1: {  	s7 =	rddreg [dreg:$0x0]  }
0x2: {  	s1 =	rddreg [dreg:$0x1]  }
0x3: {  	s2 =	rddreg [dreg:$0x2]  }
0x4: {  	s8 =	rddreg [dreg:$0x3]  }
0x5: {  	s3 =	rddreg [dreg:$0x4]  }
0x6: {  	s0 =	rddreg [dreg:$0x5];
	s5 =	simm.s32 $0x0  }
0x7: {  	s6 =	srdreg.scid;
	s4 =	stileid.u32;
	s14 =	simm.s32 $0x0  }
0x8: {  	[smem:$0x7FF] =	sst s5;
	s6 =	sand.u32 $0x1, s6;
	s9 =	smul.u32 $0x2780, s4  }
0x9: {  	s11 =	smul.u32 $0x4F000, s4;
	s31 =	sshll.u32 s4, $0x6;
	_ =	strace $0x80000047  }
0xa: {  	s10 =	ssub.s32 $0x2, s6;
	s12 =	sshll.u32 s6, $0x4;
	s6 =	smul.u32 $0x27800, s6  }
0xb: {  	s13 =	sshrl.u32 s10, $0x1;
	s12 =	sor.u32 s4, s12;
	s11 =	sshrl.u32 s11, $0x2  }
0xc: {  	s10 =	ssub.s32 s10, s13;
	s12 =	smul.u32 $0x280, s12;
	s11 =	sadd.s32 s11, s3  }
0xd: {  	s9 =	sadd.s32 s9, s6;
	s6 =	sor.u32 $0x1C01, s31;
	s13 =	simm.s32 $0x80  }
0xe: {  	s8 =	sadd.s32 s8, s9;
	s9 =	smax.u32 s10, $0x1;
	s10 =	sshrl.u32 s11, $0x3  }
0xf: {  	s11 =	simm.s32 $0x1;
	s7 =	sadd.s32 s7, s12;
	s12 =	simm.s32 $0x1400  }
.LBB2_1:
0x10: {  	[spmem:s10], [sflag:s6] =	dma.local [hbm:s2], $0x2780  }
0x11: {  	_ =	swait.ge [sflag:s11], $0x2780  }
0x12: {  	[sflag:s11] =	ssyncset.done $0x0  }
0x13: {  	[sflag:s11] =	ssyncadd.s32 $0xFFFFD880  }
0x14: {  	[tilespmem:s12], [sflag:$0x1] =	stream.linear.gather [hbm4b:s1+s5], $0x4000, $0x38;
	[tilespmem:$0x19000] =	vst v63  }
0x15: {  	_ =	swait.ge [sflag:s11], $0x4000  }
0x16: {  	[sflag:s11] =	ssyncset.done $0x0  }
0x17: {  	[sflag:s11] =	ssyncadd.s32 $0xFFFFC000  }
0x18: {  	[tilespmem:s5], [sflag:$0x1] =	stream.linear.gather [hbm4b:s7+s5], $0x1400, $0x38;
	[tilespmem:$0x19000] =	vst v63  }
0x19: {  	_ =	swait.ge [sflag:s11], $0x1400  }
0x1a: {  	[sflag:s11] =	ssyncset.done $0x0  }
0x1b: {  	[sflag:s11] =	ssyncadd.s32 $0xFFFFEC00  }
0x1c: {  	s15 =	simm.s32 $0x0;
	[bflag:$0x0] =	sbarrier.arrive $0xFFFF  }
0x1d: {  	[spmem:s3] =	stream.indirect.scatter.add.f32 [tilespmem:s12], [sflag:$0x1], $0x80, s15, s13, $0xb8;
	[tilespmem:$0x19000] =	vst v63  }
0x1e: {  	_ =	swait.ge [sflag:s11], $0x4000  }
0x1f: {  	s15 =	simm.s32 $0x200;
	[sflag:s11] =	ssyncset.done $0x0  }
.LBB2_2:
0x20: {  	s16 =	sshra.s32 s15, $0x2;
	[sflag:s11] =	ssyncadd.s32 $0xFFFFC000;
	p0 =	sne.s32 s15, $0x4E00  }
0x21: {  	[spmem:s3] =	stream.indirect.scatter.add.f32 [tilespmem:s12], [sflag:$0x1], $0x80, s16, s13, $0xb8;
	[tilespmem:$0x19000] =	vst v63  }
.Ltmp0:
0x22: {  	_ = 	snop;
	(pc) =	sbr.rel @p0 .LBB2_2-.Ltmp0, $4  }
0x23: {  	_ = 	snop  }
0x24: {  	s15 =	sadd.s32 $0x200, s15  }
0x25: {  	_ =	swait.ge [sflag:s11], $0x4000  }
0x26: {  	[sflag:s11] =	ssyncset.done $0x0  }
0x27: {  	s14 =	sadd.s32 $0x1, s14  }
0x28: {  	[sflag:s11] =	ssyncadd.s32 $0xFFFFC000;
	p0 =	sne.s32 s14, s9  }
.Ltmp1:
0x29: {  	[bflag:$0x0] =	sbarrier.arrive $0xFFFF;
	(pc) =	sbr.rel @p0 .LBB2_1-.Ltmp1, $4  }
0x2a: {  	[hbm:s8], [sflag:s6] =	dma.local [spmem:s10], $0x2780  }
0x2b: {  	_ =	swait.ge [sflag:s11], $0x2780  }
0x2c: {  	[sflag:s11] =	ssyncset.done $0x0  }
0x2d: {  	[sflag:s11] =	ssyncadd.s32 $0xFFFFD880  }
0x2e: {  	_ =	sfence.sel $0x180000  }
0x2f: {  	[bflag:$0x0] =	sbarrier.arrive $0xFFFF  }
0x30: {  	p0 =	sne.s32 s4, $0x0;
	_ =	strace $0x90000047  }
0x31: {  	s0 =	sadd.s32 @!p0 $0x100000, s0;
	[bflag:$0x2] =	sbarrier.arrive $0xFFFF  }
0x32: {  	[sflag:s0] =	ssyncadd.tile.s32 @!p0 $0x1;
	_ =	shalt  }
.Lfunc_end2:
_tile_overlayer_lowered:
.L_overlay_start_2:
0x33: {  	(tag) =	ssettag $0x2  }
0x34: {  	s0 =	rddreg [dreg:$0x0];
	s2 =	stileid.u32  }
0x35: {  	s1 =	rddreg [dreg:$0x1];
	p0 =	sne.s32 s2, $0x0  }
0x36: {  	s3 =	rddreg [dreg:$0x2];
	[bflag:$0x3] =	sbarrier.arrive $0xFFFF;
	s2 =	simm.s32 @!p0 $0x1C01  }
0x37: {  	[timem:s3], [sflag:s2] =	dma.local @!p0 [hbm:s0], s1  }
0x38: {  	s0 =	simm.s32 @!p0 $0x1  }
0x39: {  	_ =	swait.ge @!p0 [sflag:s0], s1  }
0x3a: {  	s1 =	ssub.s32 @!p0 $0x0, s1;
	[sflag:s0] =	ssyncset.done @!p0 $0x0  }
0x3b: {  	[sflag:s0] =	ssyncadd.s32 @!p0 s1  }
0x3c: {  	[bflag:$0x3] =	sbarrier.arrive $0xFFFF  }
0x3d: {  	_ =	shalt  }

// kernel: kernel.13.cloned.1.call-start
scs
__scs_entry_jumppad:
0x0: {  	(pc) =	sbr.rel $0x88, $3  }
0x1: {  	(tag) =	ssettag $0x0;
	lr =	simm.s32 $0x1  }
0x2: {  	[smem:$0x3F91] =	sst lr;
	_ =	strace $0xD0000000  }
0x3: {  	_ = 	snop  }
0x4: {  	_ = 	snop  }
0x5: {  	_ = 	snop  }
0x6: {  	_ = 	snop  }
0x7: {  	_ = 	snop  }
__scs_overlays_trampoline_lowered:
0x8: {  	[smem:$0x3FA0] =	sst s0  }
0x9: {  	[smem:$0x3FA1] =	sst s1  }
0xa: {  	[smem:$0x3FA2] =	sst s2  }
0xb: {  	[smem:$0x3FA3] =	sst s3  }
0xc: {  	[smem:$0x3FA4] =	sst s4  }
0xd: {  	[smem:$0x3FA5] =	sst s5  }
0xe: {  	[smem:$0x3FA6] =	sst s6  }
0xf: {  	[smem:$0x3FA7] =	sst s7  }
0x10: {  	[smem:$0x3FA8] =	sst s8  }
0x11: {  	[smem:$0x3FA9] =	sst s9;
	s0 =	simm.s32 @!p0 $0x0  }
0x12: {  	s1 =	sld [smem:$0x3F8F];
	s0 =	simm.s32 @p0 $0x1  }
0x13: {  	[smem:$0x3FAA] =	sst s0;
	s0 =	simm.s32 @!p1 $0x0  }
0x14: {  	s2 =	sld [smem:$0x3F8E];
	s0 =	simm.s32 @p1 $0x1  }
0x15: {  	[smem:$0x3FAB] =	sst s0;
	s0 =	simm.s32 @!p2 $0x0  }
0x16: {  	s3 =	sld [smem:$0x3FDB];
	s0 =	simm.s32 @p2 $0x1  }
0x17: {  	s4 =	simm.s32 $0x1BF5;
	[smem:$0x3FAD] =	sst s0  }
0x18: {  	s0 =	sld [smem:$0x3F90];
	_ =	swait.ge [sflag:s4], $0x0  }
0x19: {  	s7 =	sld [smem:$0x3F91]  }
0x1a: {  	s8 =	sadd.s32 $0xFFFFE003, lr  }
0x1b: {  	s9 =	sadd.s32 $0xFFFFFEF7, lr;
	s5 =	simm.s32 $0xFFFFFFFF;
	p2 =	slt.u32 s8, $0xFFFFF086  }
0x1c: {  	p1 =	slt.u32 s9, $0xF7A;
	s5 =	simm.s32 @!p2 $0x0  }
0x1d: {  	s5 =	simm.s32 @p1 $0x1;
	p0 =	seq.s32 s7, s2  }
0x1e: {  	s7 =	smul.u32 @!p0 $0xF7A, s2;
	p2 =	seq.s32 @!p0 s5, $0x0  }
0x1f: {  	s9 =	smul.u32 $0xF7A, s1;
	s8 =	simm.s32 @!p0 $0x1BF5;
	p2 =	por !p2, p0  }
0x20: {  	[sflag:s8] =	ssyncset.s32 @!p0 $0xFFFFF086;
	s6 =	sadd.s32 @!p0 s3, s7;
	s7 =	simm.s32 @!p0 $0x108  }
0x21: {  	s3 =	sadd.s32 s3, s9;
	s6 =	sadd.s32 @!p0 $0x88, s6;
	s7 =	simm.s32 @p2 $0x1082  }
0x22: {  	[simem:s7], [sflag:s8] =	dma.local @!p0 [hbm:s6], $0xF7A  }
0x23: {  	s9 =	sor.u32 $0xD0000000, s2;
	s6 =	simm.s32 $0x108;
	_ =	swait.ge @!p0 [sflag:s8], $0x0  }
0x24: {  	s3 =	sadd.s32 $0x88, s3;
	s6 =	simm.s32 @!p1 $0x1082;
	[sflag:s4] =	ssyncset.s32 $0xFFFFF086  }
0x25: {  	[simem:s6], [sflag:s4] =	dma.local [hbm:s3], $0xF7A  }
0x26: {  	[smem:$0x3F91] =	sst s1;
	(tag) =	ssettag s2;
	_ =	strace s9  }
0x27: {  	s1 =	sld [smem:$0x3FA1]  }
0x28: {  	s2 =	sld [smem:$0x3FA2]  }
0x29: {  	s4 =	sld [smem:$0x3FA4]  }
0x2a: {  	p0 =	seq.s32 s5, $0x0;
	s5 =	sld [smem:$0x3FA5]  }
0x2b: {  	s6 =	sld [smem:$0x3FA6]  }
0x2c: {  	s7 =	sld [smem:$0x3FA7]  }
0x2d: {  	s3 =	simm.s32 $0x108;
	s8 =	sld [smem:$0x3FA8]  }
0x2e: {  	s3 =	simm.s32 @!p0 $0x1082;
	s9 =	sld [smem:$0x3FA9]  }
0x2f: {  	lr =	sadd.s32 s0, s3;
	s0 =	sld [smem:$0x3FA0]  }
0x30: {  	s3 =	sld [smem:$0x3FA3]  }
0x31: {  	[smem:$0x3FAC] =	sst s10  }
0x32: {  	s10 =	sld [smem:$0x3FAA];
	_ =	sdelay $0x3  }
0x33: {  	p0 =	seq.s32 s10, $0x1;
	s10 =	sld [smem:$0x3FAC];
	_ =	sdelay $0x3  }
0x34: {  	[smem:$0x3FAC] =	sst s10  }
0x35: {  	s10 =	sld [smem:$0x3FAB];
	_ =	sdelay $0x3  }
0x36: {  	p1 =	seq.s32 s10, $0x1;
	s10 =	sld [smem:$0x3FAC];
	_ =	sdelay $0x3  }
0x37: {  	[smem:$0x3FAC] =	sst s10  }
0x38: {  	s10 =	sld [smem:$0x3FAD]  }
0x39: {  	_ = 	snop;
	(pc) =	sbr.ind lr, $3  }
0x3a: {  	_ = 	snop  }
0x3b: {  	_ = 	snop  }
0x3c: {  	p2 =	seq.s32 s10, $0x1;
	s10 =	sld [smem:$0x3FAC]  }
0x3d: {  	_ =	shalt  }
0x3e: {  	_ =	shalt  }
0x3f: {  	_ =	shalt  }
0x40: {  	_ =	shalt  }
0x41: {  	_ =	shalt  }
0x42: {  	_ =	shalt  }
0x43: {  	_ =	shalt  }
0x44: {  	_ =	shalt  }
0x45: {  	_ =	shalt  }
0x46: {  	_ =	shalt  }
0x47: {  	_ =	shalt  }
0x48: {  	_ =	shalt  }
0x49: {  	_ =	shalt  }
0x4a: {  	_ =	shalt  }
0x4b: {  	_ =	shalt  }
0x4c: {  	_ =	shalt  }
0x4d: {  	_ =	shalt  }
0x4e: {  	_ =	shalt  }
0x4f: {  	_ =	shalt  }
0x50: {  	_ =	shalt  }
0x51: {  	_ =	shalt  }
0x52: {  	_ =	shalt  }
0x53: {  	_ =	shalt  }
0x54: {  	_ =	shalt  }
0x55: {  	_ =	shalt  }
0x56: {  	_ =	shalt  }
0x57: {  	_ =	shalt  }
0x58: {  	_ =	shalt  }
0x59: {  	_ =	shalt  }
0x5a: {  	_ =	shalt  }
0x5b: {  	_ =	shalt  }
0x5c: {  	_ =	shalt  }
0x5d: {  	_ =	shalt  }
0x5e: {  	_ =	shalt  }
0x5f: {  	_ =	shalt  }
0x60: {  	_ =	shalt  }
0x61: {  	_ =	shalt  }
0x62: {  	_ =	shalt  }
0x63: {  	_ =	shalt  }
0x64: {  	_ =	shalt  }
0x65: {  	_ =	shalt  }
0x66: {  	_ =	shalt  }
0x67: {  	_ =	shalt  }
0x68: {  	_ =	shalt  }
0x69: {  	_ =	shalt  }
0x6a: {  	_ =	shalt  }
0x6b: {  	_ =	shalt  }
0x6c: {  	_ =	shalt  }
0x6d: {  	_ =	shalt  }
0x6e: {  	_ =	shalt  }
0x6f: {  	_ =	shalt  }
0x70: {  	_ =	shalt  }
0x71: {  	_ =	shalt  }
0x72: {  	_ =	shalt  }
0x73: {  	_ =	shalt  }
0x74: {  	_ =	shalt  }
0x75: {  	_ =	shalt  }
0x76: {  	_ =	shalt  }
0x77: {  	_ =	shalt  }
0x78: {  	_ =	shalt  }
0x79: {  	_ =	shalt  }
0x7a: {  	_ =	shalt  }
0x7b: {  	_ =	shalt  }
0x7c: {  	_ =	shalt  }
0x7d: {  	_ =	shalt  }
0x7e: {  	_ =	shalt  }
0x7f: {  	_ =	shalt  }
0x80: {  	_ =	shalt  }
0x81: {  	_ =	shalt  }
0x82: {  	_ =	shalt  }
0x83: {  	_ =	shalt  }
0x84: {  	_ =	shalt  }
0x85: {  	_ =	shalt  }
0x86: {  	_ =	shalt  }
0x87: {  	_ =	shalt  }
.Lfunc_end0:
.L_simem_size_0:
called_computation.1_lowered:
.L_overlay_start_0:
0x88: {  	s2 =	sld [smem:$0x3FD9]  }
0x89: {  	s3 =	sld [smem:$0x3FFE];
	_ =	sdelay $0x1  }
0x8a: {  	s1 =	srdreg.scid  }
0x8b: {  	s0 =	sand.u32 $0x1, s1  }
0x8c: {  	s14 =	sshll.u32 s0, $0xA;
	s2 =	sadd.s32 s3, s2  }
0x8d: {  	s2 =	sadd.s32 s2, s14  }
0x8e: {  	[smem:$0x3FB8] =	sst s2  }
0x8f: {  	_ = 	snop  }
0x90: {  	s2 =	sld [smem:$0x3FD0];
	_ =	sdelay $0x2  }
0x91: {  	s15 =	simm.s32 $0xA;
	s4 =	simm.s32 $0x10  }
0x92: {  	[smem:s4], [sflag:s15] =	dma.local [hbm:s2], $0x1  }
0x93: {  	_ =	swait.eq [sflag:s15], $0x1  }
0x94: {  	s16 =	sld [smem:$0x11]  }
0x95: {  	s17 =	sld [smem:$0x12];
	[sflag:s15] =	ssyncset.done $0x0  }
0x96: {  	s5 =	sld [smem:$0x13];
	[sflag:s15] =	ssyncadd.s32 $0xFFFFFFFF  }
0x97: {  	s18 =	sld [smem:$0x15];
	(tm) =	ssettm $0x1  }
0x98: {  	s6 =	sld [smem:$0x3FFB];
	_ =	sdelay $0x3  }
0x99: {  	_ =	strace s6  }
0x9a: {  	s6 =	sld [smem:$0x3FFC];
	_ =	sdelay $0x3  }
0x9b: {  	_ =	strace s6  }
0x9c: {  	s6 =	sld [smem:$0x3FFD];
	_ =	sdelay $0x3  }
0x9d: {  	_ =	strace s6  }
0x9e: {  	_ =	strace $0x8FFFFFFF  }
0x9f: {  	s19 =	sld [smem:$0x3FDB];
	_ =	sdelay $0x1  }
0xa0: {  	s7 =	simm.s32 $_scs_section_size  }
0xa1: {  	s8 =	simm.s32 $_size__tile_overlayer_lowered;
	s9 =	simm.s32 $_tile_overlayer_lowered  }
0xa2: {  	s22 =	simm.s32 $0x1BFF;
	s21 =	sshll.u32 s9, $0x1;
	s6 =	sadd.s32 s7, s19  }
0xa3: {  	s10 =	simm.s32 $0x0;
	s20 =	sshll.u32 s8, $0x1;
	s8 =	sadd.s32 s21, s6  }
0xa4: {  	[timem:s10], [sflag:s22] =	dma.local [hbm:s8], s20  }
0xa5: {  	_ =	swait.ge [sflag:s22], s20  }
0xa6: {  	s7 =	ssub.s32 $0x0, s20;
	[sflag:s22] =	ssyncset.done $0x0  }
0xa7: {  	[sflag:s22] =	ssyncadd.s32 s7;
	_ =	sdelay $0x1  }
0xa8: {  	s23 =	simm.s32 $0x1B8B  }
0xa9: {  	_ =	swait.ge [sflag:s23], $0x1  }
0xaa: {  	[sflag:s23] =	ssyncset.done $0x0  }
0xab: {  	s25 =	simm.s32 $0x1B8E;
	s24 =	sld [smem:$0x3FFE];
	[sflag:s23] =	ssyncadd.s32 $0xFFFFFFFF  }
0xac: {  	s26 =	simm.s32 $execute0_lowered;
	[smem:$0x3FD2] =	sst s25  }
0xad: {  	s8 =	sshll.u32 s26, $0x1;
	_ =	strace $0x80000049;
	[dreg:$0x1] =	wrdreg $0xFFFFFFFF  }
0xae: {  	s28 =	simm.s32 $_size_execute0_lowered;
	s6 =	sadd.s32 s6, s8;
	[dreg:$0x0] =	wrdreg $0x0  }
0xaf: {  	s8 =	sshll.u32 s28, $0x1;
	[dreg:$0x2] =	wrdreg s6  }
0xb0: {  	[dreg:$0x3] =	wrdreg s8  }
0xb1: {  	[dreg:$0x4] =	wrdreg $0xC0  }
0xb2: {  	_ =	task [dreg:s10], $0x5FFFF  }
0xb3: {  	[dreg:$0x1] =	wrdreg $0xFFFFFFFF  }
0xb4: {  	[dreg:$0x0] =	wrdreg $0x60  }
0xb5: {  	[dreg:$0x2] =	wrdreg s24  }
0xb6: {  	[dreg:$0x3] =	wrdreg s17  }
0xb7: {  	[dreg:$0x4] =	wrdreg s16  }
0xb8: {  	[dreg:$0x5] =	wrdreg s18  }
0xb9: {  	[dreg:$0x6] =	wrdreg s5  }
0xba: {  	[dreg:$0x7] =	wrdreg $0xC0000  }
0xbb: {  	[dreg:$0x8] =	wrdreg $0x9  }
0xbc: {  	_ =	task.clear_ibuf [dreg:s10], $0x9FFFF;
	_ =	strace $0x90000049  }
0xbd: {  	s29 =	simm.s32 $0x9;
	_ =	strace $0x8000004B  }
0xbe: {  	_ =	swait.ge [sflag:s29], $0x1  }
0xbf: {  	[sflag:s29] =	ssyncadd.s32 $0xFFFFFFFF  }
0xc0: {  	_ =	strace $0x9000004B  }
0xc1: {  	_ =	sfence  }
0xc2: {  	s30 =	sld [smem:$0x0];
	_ =	sdelay $0x2  }
0xc3: {  	s31 =	sshll.u32 s1, $0xD;
	s1 =	sshrl.u32 s1, $0x2  }
0xc4: {  	s3 =	sand.u32 $0x4000, s31;
	s1 =	sadd.s32 s1, s30  }
0xc5: {  	s0 =	sor.u32 s3, s0;
	s1 =	sshll.u32 s1, $0x11  }
0xc6: {  	s0 =	sor.u32 s1, s0  }
0xc7: {  	s0 =	sadd.s32 $0x8F2B, s0  }
0xc8: {  	[sflag:s0] =	ssyncadd.remote.s32 $0x1  }
0xc9: {  	_ =	sfence.sel $0xFFFF  }
0xca: {  	[dreg:$0x0] =	wrdreg $0xFFFFFFFF;
	(pc) =	sbr.abs _section_cstart, $3  }
0xcb: {  	[dreg:$0x1] =	wrdreg $0xFFFFFFFF  }
0xcc: {  	_ =	task.clear_ibuf [dreg:s10], $0x2FFFF;
	_ =	strace $0x9FFFFFFF  }
0xcd: {  	(tm) =	ssettm $0x7FFFFFFF  }
tec
execute0_lowered:
.L_overlay_start_1:
0x0: {  	(tag) =	ssettag $0x1  }
0x1: {  	s0 =	rddreg [dreg:$0x0]  }
0x2: {  	s2 =	rddreg [dreg:$0x1]  }
0x3: {  	s10 =	rddreg [dreg:$0x2]  }
0x4: {  	s1 =	rddreg [dreg:$0x3]  }
0x5: {  	s11 =	rddreg [dreg:$0x4]  }
0x6: {  	s3 =	rddreg [dreg:$0x5];
	s5 =	srdreg.scid  }
0x7: {  	s4 =	simm.s32 $0x0;
	s9 =	stileid.u32;
	s16 =	simm.s32 $0x80  }
0x8: {  	s17 =	simm.s32 $0x4000;
	s18 =	simm.s32 $0x8000;
	s19 =	simm.s32 $0x1  }
0x9: {  	s21 =	simm.s32 $0x2;
	s29 =	simm.s32 $0x2500;
	s30 =	simm.s32 $0x600  }
0xa: {  	s31 =	simm.s32 $0x2580;
	s20 =	simm.s32 $0x700;
	s22 =	simm.s32 $0x2680  }
0xb: {  	s7 =	sand.u32 $0x1, s5;
	[smem:$0x7FF] =	sst s4;
	s8 =	smul.u32 $0x4F000, s9  }
0xc: {  	s5 =	sadd.s32 $0x2B400, s0;
	s25 =	sshll.u32 s9, $0x6;
	s12 =	smul.u32 $0x2780, s9  }
0xd: {  	s26 =	sshll.u32 s9, $0xA;
	s9 =	sshll.u32 s9, $0x8;
	s6 =	ssub.s32 $0x2, s7  }
0xe: {  	_ =	strace $0x8000004A;
	s14 =	smul.u32 $0x27800, s7;
	p0 =	seq.s32 s7, $0x1  }
0xf: {  	s7 =	sadd.s32 s2, s26;
	s15 =	sor.u32 $0x4000, s9;
	s23 =	sshrl.u32 s6, $0x1  }
0x10: {  	s24 =	sshrl.u32 s8, $0x2;
	s8 =	sadd.s32 s10, s26;
	s9 =	sadd.s32 s2, s15  }
.Ltmp0:
0x11: {  	s10 =	sadd.s32 s10, s15;
	s15 =	simm.s32 $0x2000;
	(pc) =	sbr.rel .LBB2_1-.Ltmp0, $4  }
0x12: {  	s2 =	simm.s32 $0x2600;
	s0 =	ssub.s32 s6, s23;
	s13 =	sadd.s32 s24, s3  }
0x13: {  	s6 =	sor.u32 $0x1C03, s25;
	s28 =	sadd.s32 s12, s14;
	s14 =	simm.s32 $0x3  }
0x14: {  	s23 =	simm.s32 $0x780;
	s24 =	simm.s32 $0x0;
	s11 =	sadd.s32 s11, s28  }
0x15: {  	s12 =	smax.u32 s0, $0x1;
	s13 =	sshrl.u32 s13, $0x3;
	s0 =	simm.s32 $0x680  }
.LBB2_5:
0x16: {  	[tilespmem:s4], [sflag:$0x3] =	stream.linear.gather [hbm4b:s9+s4], $0x800, $0x38;
	[tilespmem:$0x1FC00] =	vst v63  }
0x17: {  	_ =	swait.ge [sflag:s14], $0x800  }
0x18: {  	[sflag:s14] =	ssyncset.done $0x0  }
0x19: {  	[sflag:s14] =	ssyncadd.s32 $0xFFFFF800  }
0x1a: {  	[tilespmem:s15], [sflag:$0x3] =	stream.linear.gather [hbm4b:s10+s4], $0x800, $0x38;
	[tilespmem:$0x1FC00] =	vst v63  }
0x1b: {  	_ =	swait.ge [sflag:s14], $0x800  }
0x1c: {  	[sflag:s14] =	ssyncset.done $0x0  }
0x1d: {  	[sflag:s14] =	ssyncadd.s32 $0xFFFFF800  }
0x1e: {  	[bflag:$0x0] =	sbarrier.arrive $0xFFFF  }
0x1f: {  	[tilespmem:s17], [sflag:$0x1] =	stream.indirect.gather [hbm4b:s5+s16], $0x80, s4, s16, $0xb8;
	[tilespmem:$0x1FC00] =	vst v63  }
0x20: {  	_ = 	snop  }
0x21: {  	[tilespmem:s18], [sflag:$0x2] =	stream.indirect.gather [hbm4b:s5+s16], $0x80, s16, s16, $0xb8;
	[tilespmem:$0x1FC00] =	vst v63  }
0x22: {  	_ =	swait.ge [sflag:s19], $0x4000  }
0x23: {  	[sflag:s19] =	ssyncset.done $0x0  }
0x24: {  	[sflag:s19] =	ssyncadd.s32 $0xFFFFC000  }
0x25: {  	[spmem:s3] =	stream.indirect.scatter.add.f32 [tilespmem:s17], [sflag:$0x3], $0x80, s15, s16, $0xb8;
	[tilespmem:$0x1FC00] =	vst v63  }
0x26: {  	_ =	swait.ge [sflag:s14], $0x4000  }
0x27: {  	[sflag:s14] =	ssyncset.done $0x0  }
0x28: {  	s25 =	simm.s32 $0x100;
	[sflag:s14] =	ssyncadd.s32 $0xFFFFC000  }
0x29: {  	[tilespmem:s17], [sflag:$0x1] =	stream.indirect.gather [hbm4b:s5+s16], $0x80, s25, s16, $0xb8;
	[tilespmem:$0x1FC00] =	vst v63  }
0x2a: {  	_ =	swait.ge [sflag:s21], $0x4000  }
0x2b: {  	[sflag:s21] =	ssyncset.done $0x0  }
0x2c: {  	s26 =	simm.s32 $0x2080;
	[sflag:s21] =	ssyncadd.s32 $0xFFFFC000  }
0x2d: {  	[spmem:s3] =	stream.indirect.scatter.add.f32 [tilespmem:s18], [sflag:$0x3], $0x80, s26, s16, $0xb8;
	[tilespmem:$0x1FC00] =	vst v63  }
0x2e: {  	_ =	swait.ge [sflag:s14], $0x4000  }
0x2f: {  	[sflag:s14] =	ssyncset.done $0x0  }
0x30: {  	s28 =	simm.s32 $0x180;
	[sflag:s14] =	ssyncadd.s32 $0xFFFFC000  }
0x31: {  	[tilespmem:s18], [sflag:$0x2] =	stream.indirect.gather [hbm4b:s5+s16], $0x80, s28, s16, $0xb8;
	[tilespmem:$0x1FC00] =	vst v63  }
0x32: {  	_ =	swait.ge [sflag:s19], $0x4000  }
0x33: {  	[sflag:s19] =	ssyncset.done $0x0  }
0x34: {  	s26 =	simm.s32 $0x2100;
	[sflag:s19] =	ssyncadd.s32 $0xFFFFC000  }
0x35: {  	[spmem:s3] =	stream.indirect.scatter.add.f32 [tilespmem:s17], [sflag:$0x3], $0x80, s26, s16, $0xb8;
	[tilespmem:$0x1FC00] =	vst v63  }
0x36: {  	_ =	swait.ge [sflag:s14], $0x4000  }
0x37: {  	[sflag:s14] =	ssyncset.done $0x0  }
0x38: {  	s28 =	simm.s32 $0x200;
	[sflag:s14] =	ssyncadd.s32 $0xFFFFC000  }
0x39: {  	[tilespmem:s17], [sflag:$0x1] =	stream.indirect.gather [hbm4b:s5+s16], $0x80, s28, s16, $0xb8;
	[tilespmem:$0x1FC00] =	vst v63  }
0x3a: {  	_ =	swait.ge [sflag:s21], $0x4000  }
0x3b: {  	[sflag:s21] =	ssyncset.done $0x0  }
0x3c: {  	s26 =	simm.s32 $0x2180;
	[sflag:s21] =	ssyncadd.s32 $0xFFFFC000  }
0x3d: {  	[spmem:s3] =	stream.indirect.scatter.add.f32 [tilespmem:s18], [sflag:$0x3], $0x80, s26, s16, $0xb8;
	[tilespmem:$0x1FC00] =	vst v63  }
0x3e: {  	_ =	swait.ge [sflag:s14], $0x4000  }
0x3f: {  	[sflag:s14] =	ssyncset.done $0x0  }
0x40: {  	s28 =	simm.s32 $0x280;
	[sflag:s14] =	ssyncadd.s32 $0xFFFFC000  }
0x41: {  	[tilespmem:s18], [sflag:$0x2] =	stream.indirect.gather [hbm4b:s5+s16], $0x80, s28, s16, $0xb8;
	[tilespmem:$0x1FC00] =	vst v63  }
0x42: {  	_ =	swait.ge [sflag:s19], $0x4000  }
0x43: {  	[sflag:s19] =	ssyncset.done $0x0  }
0x44: {  	s26 =	simm.s32 $0x2200;
	[sflag:s19] =	ssyncadd.s32 $0xFFFFC000  }
0x45: {  	[spmem:s3] =	stream.indirect.scatter.add.f32 [tilespmem:s17], [sflag:$0x3], $0x80, s26, s16, $0xb8;
	[tilespmem:$0x1FC00] =	vst v63  }
0x46: {  	_ =	swait.ge [sflag:s14], $0x4000  }
0x47: {  	[sflag:s14] =	ssyncset.done $0x0  }
0x48: {  	s28 =	simm.s32 $0x300;
	[sflag:s14] =	ssyncadd.s32 $0xFFFFC000  }
0x49: {  	[tilespmem:s17], [sflag:$0x1] =	stream.indirect.gather [hbm4b:s5+s16], $0x80, s28, s16, $0xb8;
	[tilespmem:$0x1FC00] =	vst v63  }
0x4a: {  	_ =	swait.ge [sflag:s21], $0x4000  }
0x4b: {  	[sflag:s21] =	ssyncset.done $0x0  }
0x4c: {  	s26 =	simm.s32 $0x2280;
	[sflag:s21] =	ssyncadd.s32 $0xFFFFC000  }
0x4d: {  	[spmem:s3] =	stream.indirect.scatter.add.f32 [tilespmem:s18], [sflag:$0x3], $0x80, s26, s16, $0xb8;
	[tilespmem:$0x1FC00] =	vst v63  }
0x4e: {  	_ =	swait.ge [sflag:s14], $0x4000  }
0x4f: {  	[sflag:s14] =	ssyncset.done $0x0  }
0x50: {  	s28 =	simm.s32 $0x380;
	[sflag:s14] =	ssyncadd.s32 $0xFFFFC000  }
0x51: {  	[tilespmem:s18], [sflag:$0x2] =	stream.indirect.gather [hbm4b:s5+s16], $0x80, s28, s16, $0xb8;
	[tilespmem:$0x1FC00] =	vst v63  }
0x52: {  	_ =	swait.ge [sflag:s19], $0x4000  }
0x53: {  	[sflag:s19] =	ssyncset.done $0x0  }
0x54: {  	s26 =	simm.s32 $0x2300;
	[sflag:s19] =	ssyncadd.s32 $0xFFFFC000  }
0x55: {  	[spmem:s3] =	stream.indirect.scatter.add.f32 [tilespmem:s17], [sflag:$0x3], $0x80, s26, s16, $0xb8;
	[tilespmem:$0x1FC00] =	vst v63  }
0x56: {  	_ =	swait.ge [sflag:s14], $0x4000  }
0x57: {  	[sflag:s14] =	ssyncset.done $0x0  }
0x58: {  	s28 =	simm.s32 $0x400;
	[sflag:s14] =	ssyncadd.s32 $0xFFFFC000  }
0x59: {  	[tilespmem:s17], [sflag:$0x1] =	stream.indirect.gather [hbm4b:s5+s16], $0x80, s28, s16, $0xb8;
	[tilespmem:$0x1FC00] =	vst v63  }
0x5a: {  	_ =	swait.ge [sflag:s21], $0x4000  }
0x5b: {  	[sflag:s21] =	ssyncset.done $0x0  }
0x5c: {  	s26 =	simm.s32 $0x2380;
	[sflag:s21] =	ssyncadd.s32 $0xFFFFC000  }
0x5d: {  	[spmem:s3] =	stream.indirect.scatter.add.f32 [tilespmem:s18], [sflag:$0x3], $0x80, s26, s16, $0xb8;
	[tilespmem:$0x1FC00] =	vst v63  }
0x5e: {  	_ =	swait.ge [sflag:s14], $0x4000  }
0x5f: {  	[sflag:s14] =	ssyncset.done $0x0  }
0x60: {  	s28 =	simm.s32 $0x480;
	[sflag:s14] =	ssyncadd.s32 $0xFFFFC000  }
0x61: {  	[tilespmem:s18], [sflag:$0x2] =	stream.indirect.gather [hbm4b:s5+s16], $0x80, s28, s16, $0xb8;
	[tilespmem:$0x1FC00] =	vst v63  }
0x62: {  	_ =	swait.ge [sflag:s19], $0x4000  }
0x63: {  	[sflag:s19] =	ssyncset.done $0x0  }
0x64: {  	s26 =	simm.s32 $0x2400;
	[sflag:s19] =	ssyncadd.s32 $0xFFFFC000  }
0x65: {  	[spmem:s3] =	stream.indirect.scatter.add.f32 [tilespmem:s17], [sflag:$0x3], $0x80, s26, s16, $0xb8;
	[tilespmem:$0x1FC00] =	vst v63  }
0x66: {  	_ =	swait.ge [sflag:s14], $0x4000  }
0x67: {  	[sflag:s14] =	ssyncset.done $0x0  }
0x68: {  	s28 =	simm.s32 $0x500;
	[sflag:s14] =	ssyncadd.s32 $0xFFFFC000  }
0x69: {  	[tilespmem:s17], [sflag:$0x1] =	stream.indirect.gather [hbm4b:s5+s16], $0x80, s28, s16, $0xb8;
	[tilespmem:$0x1FC00] =	vst v63  }
0x6a: {  	_ =	swait.ge [sflag:s21], $0x4000  }
0x6b: {  	[sflag:s21] =	ssyncset.done $0x0  }
0x6c: {  	s26 =	simm.s32 $0x2480;
	[sflag:s21] =	ssyncadd.s32 $0xFFFFC000  }
0x6d: {  	[spmem:s3] =	stream.indirect.scatter.add.f32 [tilespmem:s18], [sflag:$0x3], $0x80, s26, s16, $0xb8;
	[tilespmem:$0x1FC00] =	vst v63  }
0x6e: {  	_ =	swait.ge [sflag:s14], $0x4000  }
0x6f: {  	[sflag:s14] =	ssyncset.done $0x0  }
0x70: {  	s28 =	simm.s32 $0x580;
	[sflag:s14] =	ssyncadd.s32 $0xFFFFC000  }
0x71: {  	[tilespmem:s18], [sflag:$0x2] =	stream.indirect.gather [hbm4b:s5+s16], $0x80, s28, s16, $0xb8;
	[tilespmem:$0x1FC00] =	vst v63  }
0x72: {  	_ =	swait.ge [sflag:s19], $0x4000  }
0x73: {  	[sflag:s19] =	ssyncset.done $0x0  }
0x74: {  	[sflag:s19] =	ssyncadd.s32 $0xFFFFC000  }
0x75: {  	[spmem:s3] =	stream.indirect.scatter.add.f32 [tilespmem:s17], [sflag:$0x3], $0x80, s29, s16, $0xb8;
	[tilespmem:$0x1FC00] =	vst v63  }
0x76: {  	_ =	swait.ge [sflag:s14], $0x4000  }
0x77: {  	[sflag:s14] =	ssyncset.done $0x0  }
0x78: {  	[sflag:s14] =	ssyncadd.s32 $0xFFFFC000  }
0x79: {  	[tilespmem:s17], [sflag:$0x1] =	stream.indirect.gather [hbm4b:s5+s16], $0x80, s30, s16, $0xb8;
	[tilespmem:$0x1FC00] =	vst v63  }
0x7a: {  	_ =	swait.ge [sflag:s21], $0x4000  }
0x7b: {  	[sflag:s21] =	ssyncset.done $0x0  }
0x7c: {  	[sflag:s21] =	ssyncadd.s32 $0xFFFFC000  }
0x7d: {  	[spmem:s3] =	stream.indirect.scatter.add.f32 [tilespmem:s18], [sflag:$0x3], $0x80, s31, s16, $0xb8;
	[tilespmem:$0x1FC00] =	vst v63  }
0x7e: {  	_ =	swait.ge [sflag:s14], $0x4000  }
0x7f: {  	[sflag:s14] =	ssyncset.done $0x0  }
0x80: {  	[sflag:s14] =	ssyncadd.s32 $0xFFFFC000  }
0x81: {  	[tilespmem:s18], [sflag:$0x2] =	stream.indirect.gather [hbm4b:s5+s16], $0x80, s0, s16, $0xb8;
	[tilespmem:$0x1FC00] =	vst v63  }
0x82: {  	_ =	swait.ge [sflag:s19], $0x4000  }
0x83: {  	[sflag:s19] =	ssyncset.done $0x0  }
0x84: {  	[sflag:s19] =	ssyncadd.s32 $0xFFFFC000  }
0x85: {  	[spmem:s3] =	stream.indirect.scatter.add.f32 [tilespmem:s17], [sflag:$0x3], $0x80, s2, s16, $0xb8;
	[tilespmem:$0x1FC00] =	vst v63  }
0x86: {  	_ =	swait.ge [sflag:s14], $0x4000  }
0x87: {  	[sflag:s14] =	ssyncset.done $0x0  }
0x88: {  	[sflag:s14] =	ssyncadd.s32 $0xFFFFC000  }
0x89: {  	[tilespmem:s17], [sflag:$0x1] =	stream.indirect.gather [hbm4b:s5+s16], $0x80, s20, s16, $0xb8;
	[tilespmem:$0x1FC00] =	vst v63  }
0x8a: {  	_ =	swait.ge [sflag:s21], $0x4000  }
0x8b: {  	[sflag:s21] =	ssyncset.done $0x0  }
0x8c: {  	[sflag:s21] =	ssyncadd.s32 $0xFFFFC000  }
0x8d: {  	[spmem:s3] =	stream.indirect.scatter.add.f32 [tilespmem:s18], [sflag:$0x3], $0x80, s22, s16, $0xb8;
	[tilespmem:$0x1FC00] =	vst v63  }
0x8e: {  	_ =	swait.ge [sflag:s14], $0x4000  }
0x8f: {  	[sflag:s14] =	ssyncset.done $0x0  }
0x90: {  	s25 =	simm.s32 $0x2780;
	s26 =	simm.s32 $0x2700;
	[sflag:s14] =	ssyncadd.s32 $0xFFFFC000  }
0x91: {  	[tilespmem:s18], [sflag:$0x2] =	stream.indirect.gather [hbm4b:s5+s16], $0x80, s23, s16, $0xb8;
	[tilespmem:$0x1FC00] =	vst v63  }
.LBB2_6:
0x92: {  	_ =	swait.ge [sflag:s19], $0x4000  }
0x93: {  	[sflag:s19] =	ssyncset.done $0x0  }
0x94: {  	[sflag:s19] =	ssyncadd.s32 $0xFFFFC000  }
0x95: {  	[spmem:s3] =	stream.indirect.scatter.add.f32 [tilespmem:s17], [sflag:$0x3], $0x80, s26, s16, $0xb8;
	[tilespmem:$0x1FC00] =	vst v63  }
0x96: {  	_ =	swait.ge [sflag:s14], $0x4000  }
0x97: {  	[sflag:s14] =	ssyncset.done $0x0  }
0x98: {  	[sflag:s14] =	ssyncadd.s32 $0xFFFFC000  }
0x99: {  	_ =	swait.ge [sflag:s21], $0x4000  }
0x9a: {  	[sflag:s21] =	ssyncset.done $0x0  }
0x9b: {  	[sflag:s21] =	ssyncadd.s32 $0xFFFFC000  }
0x9c: {  	[spmem:s3] =	stream.indirect.scatter.add.f32 [tilespmem:s18], [sflag:$0x3], $0x80, s25, s16, $0xb8;
	[tilespmem:$0x1FC00] =	vst v63  }
0x9d: {  	_ =	swait.ge [sflag:s14], $0x4000  }
0x9e: {  	s24 =	sadd.s32 $0x1, s24;
	[sflag:s14] =	ssyncset.done $0x0  }
0x9f: {  	p1 =	sne.s32 s24, s12;
	[sflag:s14] =	ssyncadd.s32 $0xFFFFC000  }
.Ltmp1:
0xa0: {  	[bflag:$0x0] =	sbarrier.arrive $0xFFFF;
	(pc) =	sbr.rel @!p1 .LBB2_7-.Ltmp1, $4  }
0xa1: {  	[hbm:s11], [sflag:s6] =	dma.local [spmem:s13], $0x2780  }
0xa2: {  	_ =	swait.ge [sflag:s14], $0x2780  }
0xa3: {  	[sflag:s14] =	ssyncset.done $0x0  }
0xa4: {  	[sflag:s14] =	ssyncadd.s32 $0xFFFFD880  }
.LBB2_1:
.Ltmp2:
0xa5: {  	(pc) =	sbr.rel @p0 .LBB2_5-.Ltmp2, $4  }
0xa6: {  	[spmem:s13], [sflag:s6] =	dma.local [hbm:s1], $0x2780  }
0xa7: {  	_ =	swait.ge [sflag:s14], $0x2780  }
0xa8: {  	[sflag:s14] =	ssyncset.done $0x0  }
0xa9: {  	[sflag:s14] =	ssyncadd.s32 $0xFFFFD880  }
0xaa: {  	s25 =	simm.s32 $0x0  }
0xab: {  	[tilespmem:s25], [sflag:$0x3] =	stream.linear.gather [hbm4b:s7+s25], $0x2000, $0x38;
	[tilespmem:$0x1FC00] =	vst v63  }
0xac: {  	_ =	swait.ge [sflag:s14], $0x2000  }
0xad: {  	[sflag:s14] =	ssyncset.done $0x0  }
0xae: {  	[sflag:s14] =	ssyncadd.s32 $0xFFFFE000  }
0xaf: {  	[tilespmem:s15], [sflag:$0x3] =	stream.linear.gather [hbm4b:s8+s25], $0x2000, $0x38;
	[tilespmem:$0x1FC00] =	vst v63  }
0xb0: {  	_ =	swait.ge [sflag:s14], $0x2000  }
0xb1: {  	[sflag:s14] =	ssyncset.done $0x0  }
0xb2: {  	[sflag:s14] =	ssyncadd.s32 $0xFFFFE000  }
0xb3: {  	[bflag:$0x0] =	sbarrier.arrive $0xFFFF  }
0xb4: {  	[tilespmem:s17], [sflag:$0x1] =	stream.indirect.gather [hbm4b:s5+s16], $0x80, s25, s16, $0xb8;
	[tilespmem:$0x1FC00] =	vst v63  }
0xb5: {  	_ = 	snop  }
0xb6: {  	[tilespmem:s18], [sflag:$0x2] =	stream.indirect.gather [hbm4b:s5+s16], $0x80, s16, s16, $0xb8;
	[tilespmem:$0x1FC00] =	vst v63  }
0xb7: {  	_ =	swait.ge [sflag:s19], $0x4000  }
0xb8: {  	[sflag:s19] =	ssyncset.done $0x0  }
0xb9: {  	s28 =	simm.s32 $0x2000;
	[sflag:s19] =	ssyncadd.s32 $0xFFFFC000  }
0xba: {  	[spmem:s3] =	stream.indirect.scatter.add.f32 [tilespmem:s17], [sflag:$0x3], $0x80, s28, s16, $0xb8;
	[tilespmem:$0x1FC00] =	vst v63  }
0xbb: {  	_ =	swait.ge [sflag:s14], $0x4000  }
0xbc: {  	[sflag:s14] =	ssyncset.done $0x0  }
0xbd: {  	s26 =	simm.s32 $0x100;
	[sflag:s14] =	ssyncadd.s32 $0xFFFFC000  }
0xbe: {  	[tilespmem:s17], [sflag:$0x1] =	stream.indirect.gather [hbm4b:s5+s16], $0x80, s26, s16, $0xb8;
	[tilespmem:$0x1FC00] =	vst v63  }
0xbf: {  	_ =	swait.ge [sflag:s21], $0x4000  }
0xc0: {  	p1 =	por $0x0, $0x0;
	[sflag:s21] =	ssyncset.done $0x0  }
.Ltmp3:
0xc1: {  	s28 =	simm.s32 $0x2080;
	[sflag:s21] =	ssyncadd.s32 $0xFFFFC000;
	(pc) =	sbr.rel @p1 .LBB2_4-.Ltmp3, $4  }
0xc2: {  	[spmem:s3] =	stream.indirect.scatter.add.f32 [tilespmem:s18], [sflag:$0x3], $0x80, s28, s16, $0xb8;
	[tilespmem:$0x1FC00] =	vst v63  }
0xc3: {  	_ =	swait.ge [sflag:s14], $0x4000  }
0xc4: {  	[sflag:s14] =	ssyncset.done $0x0  }
0xc5: {  	s25 =	simm.s32 $0x400;
	s26 =	simm.s32 $0x180;
	[sflag:s14] =	ssyncadd.s32 $0xFFFFC000  }
.LBB2_3:
0xc6: {  	[tilespmem:s18], [sflag:$0x2] =	stream.indirect.gather [hbm4b:s5+s16], $0x80, s26, s16, $0xb8;
	[tilespmem:$0x1FC00] =	vst v63  }
0xc7: {  	s26 =	smov.u32 s25  }
0xc8: {  	p1 =	seq.s32 s25, $0x7800;
	s25 =	sadd.s32 $0x400, s25;
	_ =	swait.ge [sflag:s19], $0x4000  }
0xc9: {  	s26 =	sshra.s32 s26, $0x2;
	[sflag:s19] =	ssyncset.done $0x0  }
0xca: {  	s28 =	sadd.s32 $0x2000, s26;
	[sflag:s19] =	ssyncadd.s32 $0xFFFFC000  }
0xcb: {  	[spmem:s3] =	stream.indirect.scatter.add.f32 [tilespmem:s17], [sflag:$0x3], $0x80, s28, s16, $0xb8;
	[tilespmem:$0x1FC00] =	vst v63  }
0xcc: {  	_ =	swait.ge [sflag:s14], $0x4000  }
0xcd: {  	[sflag:s14] =	ssyncset.done $0x0  }
0xce: {  	s28 =	sadd.s32 $0x100, s26;
	[sflag:s14] =	ssyncadd.s32 $0xFFFFC000  }
0xcf: {  	[tilespmem:s17], [sflag:$0x1] =	stream.indirect.gather [hbm4b:s5+s16], $0x80, s28, s16, $0xb8;
	[tilespmem:$0x1FC00] =	vst v63  }
0xd0: {  	_ =	swait.ge [sflag:s21], $0x4000  }
0xd1: {  	[sflag:s21] =	ssyncset.done $0x0  }
.Ltmp4:
0xd2: {  	s28 =	sadd.s32 $0x2080, s26;
	[sflag:s21] =	ssyncadd.s32 $0xFFFFC000;
	(pc) =	sbr.rel @!p1 .LBB2_3-.Ltmp4, $4  }
0xd3: {  	[spmem:s3] =	stream.indirect.scatter.add.f32 [tilespmem:s18], [sflag:$0x3], $0x80, s28, s16, $0xb8;
	[tilespmem:$0x1FC00] =	vst v63  }
0xd4: {  	_ =	swait.ge [sflag:s14], $0x4000  }
0xd5: {  	[sflag:s14] =	ssyncset.done $0x0  }
0xd6: {  	s26 =	sadd.s32 $0x180, s26;
	[sflag:s14] =	ssyncadd.s32 $0xFFFFC000  }
.LBB2_4:
.Ltmp5:
0xd7: {  	(pc) =	sbr.rel .LBB2_6-.Ltmp5, $3  }
0xd8: {  	_ =	sdelay $0x1  }
0xd9: {  	[tilespmem:s18], [sflag:$0x2] =	stream.indirect.gather [hbm4b:s5+s16], $0x80, s26, s16, $0xb8;
	[tilespmem:$0x1FC00] =	vst v63  }
0xda: {  	s25 =	simm.s32 $0x3F80;
	s26 =	simm.s32 $0x3F00  }
.LBB2_7:
0xdb: {  	_ =	sfence.sel $0x180000  }
0xdc: {  	[bflag:$0x0] =	sbarrier.arrive $0xFFFF  }
0xdd: {  	_ =	strace $0x9000004A  }
0xde: {  	s0 =	stileid.u32;
	[bflag:$0x2] =	sbarrier.arrive $0xFFFF  }
0xdf: {  	p0 =	sne.s32 s0, $0x0;
	s0 =	rddreg [dreg:$0x6]  }
0xe0: {  	s0 =	sadd.s32 @!p0 $0x100000, s0  }
0xe1: {  	[sflag:s0] =	ssyncadd.tile.s32 @!p0 $0x1;
	_ =	shalt  }
.Lfunc_end2:
_tile_overlayer_lowered:
.L_overlay_start_2:
0xe2: {  	(tag) =	ssettag $0x2  }
0xe3: {  	s0 =	rddreg [dreg:$0x0];
	s2 =	stileid.u32  }
0xe4: {  	s1 =	rddreg [dreg:$0x1];
	p0 =	sne.s32 s2, $0x0  }
0xe5: {  	s3 =	rddreg [dreg:$0x2];
	[bflag:$0x3] =	sbarrier.arrive $0xFFFF;
	s2 =	simm.s32 @!p0 $0x1C03  }
0xe6: {  	[timem:s3], [sflag:s2] =	dma.local @!p0 [hbm:s0], s1  }
0xe7: {  	s0 =	simm.s32 @!p0 $0x3  }
0xe8: {  	_ =	swait.ge @!p0 [sflag:s0], s1  }
0xe9: {  	s1 =	ssub.s32 @!p0 $0x0, s1;
	[sflag:s0] =	ssyncset.done @!p0 $0x0  }
0xea: {  	[sflag:s0] =	ssyncadd.s32 @!p0 s1  }
0xeb: {  	[bflag:$0x3] =	sbarrier.arrive $0xFFFF  }
0xec: {  	_ =	shalt  }

// kernel: kernel.16.cloned.1.call-start
scs
__scs_entry_jumppad:
0x0: {  	(pc) =	sbr.rel $0x88, $3  }
0x1: {  	(tag) =	ssettag $0x0;
	lr =	simm.s32 $0x1  }
0x2: {  	[smem:$0x3F91] =	sst lr;
	_ =	strace $0xD0000000  }
0x3: {  	_ = 	snop  }
0x4: {  	_ = 	snop  }
0x5: {  	_ = 	snop  }
0x6: {  	_ = 	snop  }
0x7: {  	_ = 	snop  }
__scs_overlays_trampoline_lowered:
0x8: {  	[smem:$0x3FA0] =	sst s0  }
0x9: {  	[smem:$0x3FA1] =	sst s1  }
0xa: {  	[smem:$0x3FA2] =	sst s2  }
0xb: {  	[smem:$0x3FA3] =	sst s3  }
0xc: {  	[smem:$0x3FA4] =	sst s4  }
0xd: {  	[smem:$0x3FA5] =	sst s5  }
0xe: {  	[smem:$0x3FA6] =	sst s6  }
0xf: {  	[smem:$0x3FA7] =	sst s7  }
0x10: {  	[smem:$0x3FA8] =	sst s8  }
0x11: {  	[smem:$0x3FA9] =	sst s9;
	s0 =	simm.s32 @!p0 $0x0  }
0x12: {  	s1 =	sld [smem:$0x3F8F];
	s0 =	simm.s32 @p0 $0x1  }
0x13: {  	[smem:$0x3FAA] =	sst s0;
	s0 =	simm.s32 @!p1 $0x0  }
0x14: {  	s2 =	sld [smem:$0x3F8E];
	s0 =	simm.s32 @p1 $0x1  }
0x15: {  	[smem:$0x3FAB] =	sst s0;
	s0 =	simm.s32 @!p2 $0x0  }
0x16: {  	s3 =	sld [smem:$0x3FDB];
	s0 =	simm.s32 @p2 $0x1  }
0x17: {  	s4 =	simm.s32 $0x1BF5;
	[smem:$0x3FAD] =	sst s0  }
0x18: {  	s0 =	sld [smem:$0x3F90];
	_ =	swait.ge [sflag:s4], $0x0  }
0x19: {  	s7 =	sld [smem:$0x3F91]  }
0x1a: {  	s8 =	sadd.s32 $0xFFFFE003, lr  }
0x1b: {  	s9 =	sadd.s32 $0xFFFFFEF7, lr;
	s5 =	simm.s32 $0xFFFFFFFF;
	p2 =	slt.u32 s8, $0xFFFFF086  }
0x1c: {  	p1 =	slt.u32 s9, $0xF7A;
	s5 =	simm.s32 @!p2 $0x0  }
0x1d: {  	s5 =	simm.s32 @p1 $0x1;
	p0 =	seq.s32 s7, s2  }
0x1e: {  	s7 =	smul.u32 @!p0 $0xF7A, s2;
	p2 =	seq.s32 @!p0 s5, $0x0  }
0x1f: {  	s9 =	smul.u32 $0xF7A, s1;
	s8 =	simm.s32 @!p0 $0x1BF5;
	p2 =	por !p2, p0  }
0x20: {  	[sflag:s8] =	ssyncset.s32 @!p0 $0xFFFFF086;
	s6 =	sadd.s32 @!p0 s3, s7;
	s7 =	simm.s32 @!p0 $0x108  }
0x21: {  	s3 =	sadd.s32 s3, s9;
	s6 =	sadd.s32 @!p0 $0x88, s6;
	s7 =	simm.s32 @p2 $0x1082  }
0x22: {  	[simem:s7], [sflag:s8] =	dma.local @!p0 [hbm:s6], $0xF7A  }
0x23: {  	s9 =	sor.u32 $0xD0000000, s2;
	s6 =	simm.s32 $0x108;
	_ =	swait.ge @!p0 [sflag:s8], $0x0  }
0x24: {  	s3 =	sadd.s32 $0x88, s3;
	s6 =	simm.s32 @!p1 $0x1082;
	[sflag:s4] =	ssyncset.s32 $0xFFFFF086  }
0x25: {  	[simem:s6], [sflag:s4] =	dma.local [hbm:s3], $0xF7A  }
0x26: {  	[smem:$0x3F91] =	sst s1;
	(tag) =	ssettag s2;
	_ =	strace s9  }
0x27: {  	s1 =	sld [smem:$0x3FA1]  }
0x28: {  	s2 =	sld [smem:$0x3FA2]  }
0x29: {  	s4 =	sld [smem:$0x3FA4]  }
0x2a: {  	p0 =	seq.s32 s5, $0x0;
	s5 =	sld [smem:$0x3FA5]  }
0x2b: {  	s6 =	sld [smem:$0x3FA6]  }
0x2c: {  	s7 =	sld [smem:$0x3FA7]  }
0x2d: {  	s3 =	simm.s32 $0x108;
	s8 =	sld [smem:$0x3FA8]  }
0x2e: {  	s3 =	simm.s32 @!p0 $0x1082;
	s9 =	sld [smem:$0x3FA9]  }
0x2f: {  	lr =	sadd.s32 s0, s3;
	s0 =	sld [smem:$0x3FA0]  }
0x30: {  	s3 =	sld [smem:$0x3FA3]  }
0x31: {  	[smem:$0x3FAC] =	sst s10  }
0x32: {  	s10 =	sld [smem:$0x3FAA];
	_ =	sdelay $0x3  }
0x33: {  	p0 =	seq.s32 s10, $0x1;
	s10 =	sld [smem:$0x3FAC];
	_ =	sdelay $0x3  }
0x34: {  	[smem:$0x3FAC] =	sst s10  }
0x35: {  	s10 =	sld [smem:$0x3FAB];
	_ =	sdelay $0x3  }
0x36: {  	p1 =	seq.s32 s10, $0x1;
	s10 =	sld [smem:$0x3FAC];
	_ =	sdelay $0x3  }
0x37: {  	[smem:$0x3FAC] =	sst s10  }
0x38: {  	s10 =	sld [smem:$0x3FAD]  }
0x39: {  	_ = 	snop;
	(pc) =	sbr.ind lr, $3  }
0x3a: {  	_ = 	snop  }
0x3b: {  	_ = 	snop  }
0x3c: {  	p2 =	seq.s32 s10, $0x1;
	s10 =	sld [smem:$0x3FAC]  }
0x3d: {  	_ =	shalt  }
0x3e: {  	_ =	shalt  }
0x3f: {  	_ =	shalt  }
0x40: {  	_ =	shalt  }
0x41: {  	_ =	shalt  }
0x42: {  	_ =	shalt  }
0x43: {  	_ =	shalt  }
0x44: {  	_ =	shalt  }
0x45: {  	_ =	shalt  }
0x46: {  	_ =	shalt  }
0x47: {  	_ =	shalt  }
0x48: {  	_ =	shalt  }
0x49: {  	_ =	shalt  }
0x4a: {  	_ =	shalt  }
0x4b: {  	_ =	shalt  }
0x4c: {  	_ =	shalt  }
0x4d: {  	_ =	shalt  }
0x4e: {  	_ =	shalt  }
0x4f: {  	_ =	shalt  }
0x50: {  	_ =	shalt  }
0x51: {  	_ =	shalt  }
0x52: {  	_ =	shalt  }
0x53: {  	_ =	shalt  }
0x54: {  	_ =	shalt  }
0x55: {  	_ =	shalt  }
0x56: {  	_ =	shalt  }
0x57: {  	_ =	shalt  }
0x58: {  	_ =	shalt  }
0x59: {  	_ =	shalt  }
0x5a: {  	_ =	shalt  }
0x5b: {  	_ =	shalt  }
0x5c: {  	_ =	shalt  }
0x5d: {  	_ =	shalt  }
0x5e: {  	_ =	shalt  }
0x5f: {  	_ =	shalt  }
0x60: {  	_ =	shalt  }
0x61: {  	_ =	shalt  }
0x62: {  	_ =	shalt  }
0x63: {  	_ =	shalt  }
0x64: {  	_ =	shalt  }
0x65: {  	_ =	shalt  }
0x66: {  	_ =	shalt  }
0x67: {  	_ =	shalt  }
0x68: {  	_ =	shalt  }
0x69: {  	_ =	shalt  }
0x6a: {  	_ =	shalt  }
0x6b: {  	_ =	shalt  }
0x6c: {  	_ =	shalt  }
0x6d: {  	_ =	shalt  }
0x6e: {  	_ =	shalt  }
0x6f: {  	_ =	shalt  }
0x70: {  	_ =	shalt  }
0x71: {  	_ =	shalt  }
0x72: {  	_ =	shalt  }
0x73: {  	_ =	shalt  }
0x74: {  	_ =	shalt  }
0x75: {  	_ =	shalt  }
0x76: {  	_ =	shalt  }
0x77: {  	_ =	shalt  }
0x78: {  	_ =	shalt  }
0x79: {  	_ =	shalt  }
0x7a: {  	_ =	shalt  }
0x7b: {  	_ =	shalt  }
0x7c: {  	_ =	shalt  }
0x7d: {  	_ =	shalt  }
0x7e: {  	_ =	shalt  }
0x7f: {  	_ =	shalt  }
0x80: {  	_ =	shalt  }
0x81: {  	_ =	shalt  }
0x82: {  	_ =	shalt  }
0x83: {  	_ =	shalt  }
0x84: {  	_ =	shalt  }
0x85: {  	_ =	shalt  }
0x86: {  	_ =	shalt  }
0x87: {  	_ =	shalt  }
.Lfunc_end0:
.L_simem_size_0:
called_computation.2_lowered:
.L_overlay_start_0:
0x88: {  	s2 =	sld [smem:$0x3FD9]  }
0x89: {  	s3 =	sld [smem:$0x3FFE];
	_ =	sdelay $0x1  }
0x8a: {  	s1 =	srdreg.scid  }
0x8b: {  	s0 =	sand.u32 $0x1, s1  }
0x8c: {  	s14 =	sshll.u32 s0, $0xA;
	s2 =	sadd.s32 s3, s2  }
0x8d: {  	s2 =	sadd.s32 s2, s14  }
0x8e: {  	[smem:$0x3FB8] =	sst s2  }
0x8f: {  	_ = 	snop  }
0x90: {  	s2 =	sld [smem:$0x3FD0];
	_ =	sdelay $0x2  }
0x91: {  	s15 =	simm.s32 $0xA;
	s4 =	simm.s32 $0x10  }
0x92: {  	[smem:s4], [sflag:s15] =	dma.local [hbm:s2], $0x1  }
0x93: {  	_ =	swait.eq [sflag:s15], $0x1  }
0x94: {  	s16 =	sld [smem:$0x11]  }
0x95: {  	s17 =	sld [smem:$0x12];
	[sflag:s15] =	ssyncset.done $0x0  }
0x96: {  	s5 =	sld [smem:$0x13];
	[sflag:s15] =	ssyncadd.s32 $0xFFFFFFFF  }
0x97: {  	s18 =	sld [smem:$0x15];
	(tm) =	ssettm $0x1  }
0x98: {  	s6 =	sld [smem:$0x3FFB];
	_ =	sdelay $0x3  }
0x99: {  	_ =	strace s6  }
0x9a: {  	s6 =	sld [smem:$0x3FFC];
	_ =	sdelay $0x3  }
0x9b: {  	_ =	strace s6  }
0x9c: {  	s6 =	sld [smem:$0x3FFD];
	_ =	sdelay $0x3  }
0x9d: {  	_ =	strace s6  }
0x9e: {  	_ =	strace $0x8FFFFFFF  }
0x9f: {  	s19 =	sld [smem:$0x3FDB];
	_ =	sdelay $0x1  }
0xa0: {  	s7 =	simm.s32 $_scs_section_size  }
0xa1: {  	s8 =	simm.s32 $_size__tile_overlayer_lowered;
	s9 =	simm.s32 $_tile_overlayer_lowered  }
0xa2: {  	s22 =	simm.s32 $0x1BFF;
	s21 =	sshll.u32 s9, $0x1;
	s6 =	sadd.s32 s7, s19  }
0xa3: {  	s10 =	simm.s32 $0x0;
	s20 =	sshll.u32 s8, $0x1;
	s8 =	sadd.s32 s21, s6  }
0xa4: {  	[timem:s10], [sflag:s22] =	dma.local [hbm:s8], s20  }
0xa5: {  	_ =	swait.ge [sflag:s22], s20  }
0xa6: {  	s7 =	ssub.s32 $0x0, s20;
	[sflag:s22] =	ssyncset.done $0x0  }
0xa7: {  	[sflag:s22] =	ssyncadd.s32 s7;
	_ =	sdelay $0x1  }
0xa8: {  	s23 =	simm.s32 $0x1B8B  }
0xa9: {  	_ =	swait.ge [sflag:s23], $0x1  }
0xaa: {  	[sflag:s23] =	ssyncset.done $0x0  }
0xab: {  	s25 =	simm.s32 $0x1B8E;
	s24 =	sld [smem:$0x3FFE];
	[sflag:s23] =	ssyncadd.s32 $0xFFFFFFFF  }
0xac: {  	s26 =	simm.s32 $execute0_lowered;
	[smem:$0x3FD2] =	sst s25  }
0xad: {  	s8 =	sshll.u32 s26, $0x1;
	_ =	strace $0x8000004C;
	[dreg:$0x1] =	wrdreg $0xFFFFFFFF  }
0xae: {  	s28 =	simm.s32 $_size_execute0_lowered;
	s6 =	sadd.s32 s6, s8;
	[dreg:$0x0] =	wrdreg $0x0  }
0xaf: {  	s8 =	sshll.u32 s28, $0x1;
	[dreg:$0x2] =	wrdreg s6  }
0xb0: {  	[dreg:$0x3] =	wrdreg s8  }
0xb1: {  	[dreg:$0x4] =	wrdreg $0xC0  }
0xb2: {  	_ =	task [dreg:s10], $0x5FFFF  }
0xb3: {  	[dreg:$0x1] =	wrdreg $0xFFFFFFFF  }
0xb4: {  	[dreg:$0x0] =	wrdreg $0x60  }
0xb5: {  	[dreg:$0x2] =	wrdreg s24  }
0xb6: {  	[dreg:$0x3] =	wrdreg s17  }
0xb7: {  	[dreg:$0x4] =	wrdreg s16  }
0xb8: {  	[dreg:$0x5] =	wrdreg s18  }
0xb9: {  	[dreg:$0x6] =	wrdreg s5  }
0xba: {  	[dreg:$0x7] =	wrdreg $0xC0000  }
0xbb: {  	[dreg:$0x8] =	wrdreg $0x9  }
0xbc: {  	_ =	task.clear_ibuf [dreg:s10], $0x9FFFF;
	_ =	strace $0x9000004C  }
0xbd: {  	s29 =	simm.s32 $0x9;
	_ =	strace $0x8000004E  }
0xbe: {  	_ =	swait.ge [sflag:s29], $0x1  }
0xbf: {  	[sflag:s29] =	ssyncadd.s32 $0xFFFFFFFF  }
0xc0: {  	_ =	strace $0x9000004E  }
0xc1: {  	_ =	sfence  }
0xc2: {  	s30 =	sld [smem:$0x0];
	_ =	sdelay $0x2  }
0xc3: {  	s31 =	sshll.u32 s1, $0xD;
	s1 =	sshrl.u32 s1, $0x2  }
0xc4: {  	s3 =	sand.u32 $0x4000, s31;
	s1 =	sadd.s32 s1, s30  }
0xc5: {  	s0 =	sor.u32 s3, s0;
	s1 =	sshll.u32 s1, $0x11  }
0xc6: {  	s0 =	sor.u32 s1, s0  }
0xc7: {  	s0 =	sadd.s32 $0x8F2B, s0  }
0xc8: {  	[sflag:s0] =	ssyncadd.remote.s32 $0x1  }
0xc9: {  	_ =	sfence.sel $0xFFFF  }
0xca: {  	[dreg:$0x0] =	wrdreg $0xFFFFFFFF;
	(pc) =	sbr.abs _section_cstart, $3  }
0xcb: {  	[dreg:$0x1] =	wrdreg $0xFFFFFFFF  }
0xcc: {  	_ =	task.clear_ibuf [dreg:s10], $0x2FFFF;
	_ =	strace $0x9FFFFFFF  }
0xcd: {  	(tm) =	ssettm $0x7FFFFFFF  }
tec
execute0_lowered:
.L_overlay_start_1:
0x0: {  	(tag) =	ssettag $0x1  }
0x1: {  	s0 =	rddreg [dreg:$0x0]  }
0x2: {  	s2 =	rddreg [dreg:$0x1]  }
0x3: {  	s10 =	rddreg [dreg:$0x2]  }
0x4: {  	s1 =	rddreg [dreg:$0x3]  }
0x5: {  	s11 =	rddreg [dreg:$0x4]  }
0x6: {  	s3 =	rddreg [dreg:$0x5];
	s5 =	srdreg.scid  }
0x7: {  	s4 =	simm.s32 $0x0;
	s9 =	stileid.u32;
	s16 =	simm.s32 $0x80  }
0x8: {  	s17 =	simm.s32 $0x4000;
	s18 =	simm.s32 $0x8000;
	s19 =	simm.s32 $0x1  }
0x9: {  	s21 =	simm.s32 $0x2;
	s29 =	simm.s32 $0x2500;
	s30 =	simm.s32 $0x600  }
0xa: {  	s31 =	simm.s32 $0x2580;
	s20 =	simm.s32 $0x700;
	s22 =	simm.s32 $0x2680  }
0xb: {  	s7 =	sand.u32 $0x1, s5;
	[smem:$0x7FF] =	sst s4;
	s8 =	smul.u32 $0x4F000, s9  }
0xc: {  	s5 =	sadd.s32 $0x2B400, s0;
	s25 =	sshll.u32 s9, $0x6;
	s12 =	smul.u32 $0x2780, s9  }
0xd: {  	s26 =	sshll.u32 s9, $0xA;
	s9 =	sshll.u32 s9, $0x8;
	s6 =	ssub.s32 $0x2, s7  }
0xe: {  	_ =	strace $0x8000004D;
	s14 =	smul.u32 $0x27800, s7;
	p0 =	seq.s32 s7, $0x1  }
0xf: {  	s7 =	sadd.s32 s2, s26;
	s15 =	sor.u32 $0x4000, s9;
	s23 =	sshrl.u32 s6, $0x1  }
0x10: {  	s24 =	sshrl.u32 s8, $0x2;
	s8 =	sadd.s32 s10, s26;
	s9 =	sadd.s32 s2, s15  }
.Ltmp0:
0x11: {  	s10 =	sadd.s32 s10, s15;
	s15 =	simm.s32 $0x2000;
	(pc) =	sbr.rel .LBB2_1-.Ltmp0, $4  }
0x12: {  	s2 =	simm.s32 $0x2600;
	s0 =	ssub.s32 s6, s23;
	s13 =	sadd.s32 s24, s3  }
0x13: {  	s6 =	sor.u32 $0x1C03, s25;
	s28 =	sadd.s32 s12, s14;
	s14 =	simm.s32 $0x3  }
0x14: {  	s23 =	simm.s32 $0x780;
	s24 =	simm.s32 $0x0;
	s11 =	sadd.s32 s11, s28  }
0x15: {  	s12 =	smax.u32 s0, $0x1;
	s13 =	sshrl.u32 s13, $0x3;
	s0 =	simm.s32 $0x680  }
.LBB2_5:
0x16: {  	[tilespmem:s4], [sflag:$0x3] =	stream.linear.gather [hbm4b:s9+s4], $0x800, $0x38;
	[tilespmem:$0x1FC00] =	vst v63  }
0x17: {  	_ =	swait.ge [sflag:s14], $0x800  }
0x18: {  	[sflag:s14] =	ssyncset.done $0x0  }
0x19: {  	[sflag:s14] =	ssyncadd.s32 $0xFFFFF800  }
0x1a: {  	[tilespmem:s15], [sflag:$0x3] =	stream.linear.gather [hbm4b:s10+s4], $0x800, $0x38;
	[tilespmem:$0x1FC00] =	vst v63  }
0x1b: {  	_ =	swait.ge [sflag:s14], $0x800  }
0x1c: {  	[sflag:s14] =	ssyncset.done $0x0  }
0x1d: {  	[sflag:s14] =	ssyncadd.s32 $0xFFFFF800  }
0x1e: {  	[bflag:$0x0] =	sbarrier.arrive $0xFFFF  }
0x1f: {  	[tilespmem:s17], [sflag:$0x1] =	stream.indirect.gather [hbm4b:s5+s16], $0x80, s4, s16, $0xb8;
	[tilespmem:$0x1FC00] =	vst v63  }
0x20: {  	_ = 	snop  }
0x21: {  	[tilespmem:s18], [sflag:$0x2] =	stream.indirect.gather [hbm4b:s5+s16], $0x80, s16, s16, $0xb8;
	[tilespmem:$0x1FC00] =	vst v63  }
0x22: {  	_ =	swait.ge [sflag:s19], $0x4000  }
0x23: {  	[sflag:s19] =	ssyncset.done $0x0  }
0x24: {  	[sflag:s19] =	ssyncadd.s32 $0xFFFFC000  }
0x25: {  	[spmem:s3] =	stream.indirect.scatter.add.f32 [tilespmem:s17], [sflag:$0x3], $0x80, s15, s16, $0xb8;
	[tilespmem:$0x1FC00] =	vst v63  }
0x26: {  	_ =	swait.ge [sflag:s14], $0x4000  }
0x27: {  	[sflag:s14] =	ssyncset.done $0x0  }
0x28: {  	s25 =	simm.s32 $0x100;
	[sflag:s14] =	ssyncadd.s32 $0xFFFFC000  }
0x29: {  	[tilespmem:s17], [sflag:$0x1] =	stream.indirect.gather [hbm4b:s5+s16], $0x80, s25, s16, $0xb8;
	[tilespmem:$0x1FC00] =	vst v63  }
0x2a: {  	_ =	swait.ge [sflag:s21], $0x4000  }
0x2b: {  	[sflag:s21] =	ssyncset.done $0x0  }
0x2c: {  	s26 =	simm.s32 $0x2080;
	[sflag:s21] =	ssyncadd.s32 $0xFFFFC000  }
0x2d: {  	[spmem:s3] =	stream.indirect.scatter.add.f32 [tilespmem:s18], [sflag:$0x3], $0x80, s26, s16, $0xb8;
	[tilespmem:$0x1FC00] =	vst v63  }
0x2e: {  	_ =	swait.ge [sflag:s14], $0x4000  }
0x2f: {  	[sflag:s14] =	ssyncset.done $0x0  }
0x30: {  	s28 =	simm.s32 $0x180;
	[sflag:s14] =	ssyncadd.s32 $0xFFFFC000  }
0x31: {  	[tilespmem:s18], [sflag:$0x2] =	stream.indirect.gather [hbm4b:s5+s16], $0x80, s28, s16, $0xb8;
	[tilespmem:$0x1FC00] =	vst v63  }
0x32: {  	_ =	swait.ge [sflag:s19], $0x4000  }
0x33: {  	[sflag:s19] =	ssyncset.done $0x0  }
0x34: {  	s26 =	simm.s32 $0x2100;
	[sflag:s19] =	ssyncadd.s32 $0xFFFFC000  }
0x35: {  	[spmem:s3] =	stream.indirect.scatter.add.f32 [tilespmem:s17], [sflag:$0x3], $0x80, s26, s16, $0xb8;
	[tilespmem:$0x1FC00] =	vst v63  }
0x36: {  	_ =	swait.ge [sflag:s14], $0x4000  }
0x37: {  	[sflag:s14] =	ssyncset.done $0x0  }
0x38: {  	s28 =	simm.s32 $0x200;
	[sflag:s14] =	ssyncadd.s32 $0xFFFFC000  }
0x39: {  	[tilespmem:s17], [sflag:$0x1] =	stream.indirect.gather [hbm4b:s5+s16], $0x80, s28, s16, $0xb8;
	[tilespmem:$0x1FC00] =	vst v63  }
0x3a: {  	_ =	swait.ge [sflag:s21], $0x4000  }
0x3b: {  	[sflag:s21] =	ssyncset.done $0x0  }
0x3c: {  	s26 =	simm.s32 $0x2180;
	[sflag:s21] =	ssyncadd.s32 $0xFFFFC000  }
0x3d: {  	[spmem:s3] =	stream.indirect.scatter.add.f32 [tilespmem:s18], [sflag:$0x3], $0x80, s26, s16, $0xb8;
	[tilespmem:$0x1FC00] =	vst v63  }
0x3e: {  	_ =	swait.ge [sflag:s14], $0x4000  }
0x3f: {  	[sflag:s14] =	ssyncset.done $0x0  }
0x40: {  	s28 =	simm.s32 $0x280;
	[sflag:s14] =	ssyncadd.s32 $0xFFFFC000  }
0x41: {  	[tilespmem:s18], [sflag:$0x2] =	stream.indirect.gather [hbm4b:s5+s16], $0x80, s28, s16, $0xb8;
	[tilespmem:$0x1FC00] =	vst v63  }
0x42: {  	_ =	swait.ge [sflag:s19], $0x4000  }
0x43: {  	[sflag:s19] =	ssyncset.done $0x0  }
0x44: {  	s26 =	simm.s32 $0x2200;
	[sflag:s19] =	ssyncadd.s32 $0xFFFFC000  }
0x45: {  	[spmem:s3] =	stream.indirect.scatter.add.f32 [tilespmem:s17], [sflag:$0x3], $0x80, s26, s16, $0xb8;
	[tilespmem:$0x1FC00] =	vst v63  }
0x46: {  	_ =	swait.ge [sflag:s14], $0x4000  }
0x47: {  	[sflag:s14] =	ssyncset.done $0x0  }
0x48: {  	s28 =	simm.s32 $0x300;
	[sflag:s14] =	ssyncadd.s32 $0xFFFFC000  }
0x49: {  	[tilespmem:s17], [sflag:$0x1] =	stream.indirect.gather [hbm4b:s5+s16], $0x80, s28, s16, $0xb8;
	[tilespmem:$0x1FC00] =	vst v63  }
0x4a: {  	_ =	swait.ge [sflag:s21], $0x4000  }
0x4b: {  	[sflag:s21] =	ssyncset.done $0x0  }
0x4c: {  	s26 =	simm.s32 $0x2280;
	[sflag:s21] =	ssyncadd.s32 $0xFFFFC000  }
0x4d: {  	[spmem:s3] =	stream.indirect.scatter.add.f32 [tilespmem:s18], [sflag:$0x3], $0x80, s26, s16, $0xb8;
	[tilespmem:$0x1FC00] =	vst v63  }
0x4e: {  	_ =	swait.ge [sflag:s14], $0x4000  }
0x4f: {  	[sflag:s14] =	ssyncset.done $0x0  }
0x50: {  	s28 =	simm.s32 $0x380;
	[sflag:s14] =	ssyncadd.s32 $0xFFFFC000  }
0x51: {  	[tilespmem:s18], [sflag:$0x2] =	stream.indirect.gather [hbm4b:s5+s16], $0x80, s28, s16, $0xb8;
	[tilespmem:$0x1FC00] =	vst v63  }
0x52: {  	_ =	swait.ge [sflag:s19], $0x4000  }
0x53: {  	[sflag:s19] =	ssyncset.done $0x0  }
0x54: {  	s26 =	simm.s32 $0x2300;
	[sflag:s19] =	ssyncadd.s32 $0xFFFFC000  }
0x55: {  	[spmem:s3] =	stream.indirect.scatter.add.f32 [tilespmem:s17], [sflag:$0x3], $0x80, s26, s16, $0xb8;
	[tilespmem:$0x1FC00] =	vst v63  }
0x56: {  	_ =	swait.ge [sflag:s14], $0x4000  }
0x57: {  	[sflag:s14] =	ssyncset.done $0x0  }
0x58: {  	s28 =	simm.s32 $0x400;
	[sflag:s14] =	ssyncadd.s32 $0xFFFFC000  }
0x59: {  	[tilespmem:s17], [sflag:$0x1] =	stream.indirect.gather [hbm4b:s5+s16], $0x80, s28, s16, $0xb8;
	[tilespmem:$0x1FC00] =	vst v63  }
0x5a: {  	_ =	swait.ge [sflag:s21], $0x4000  }
0x5b: {  	[sflag:s21] =	ssyncset.done $0x0  }
0x5c: {  	s26 =	simm.s32 $0x2380;
	[sflag:s21] =	ssyncadd.s32 $0xFFFFC000  }
0x5d: {  	[spmem:s3] =	stream.indirect.scatter.add.f32 [tilespmem:s18], [sflag:$0x3], $0x80, s26, s16, $0xb8;
	[tilespmem:$0x1FC00] =	vst v63  }
0x5e: {  	_ =	swait.ge [sflag:s14], $0x4000  }
0x5f: {  	[sflag:s14] =	ssyncset.done $0x0  }
0x60: {  	s28 =	simm.s32 $0x480;
	[sflag:s14] =	ssyncadd.s32 $0xFFFFC000  }
0x61: {  	[tilespmem:s18], [sflag:$0x2] =	stream.indirect.gather [hbm4b:s5+s16], $0x80, s28, s16, $0xb8;
	[tilespmem:$0x1FC00] =	vst v63  }
0x62: {  	_ =	swait.ge [sflag:s19], $0x4000  }
0x63: {  	[sflag:s19] =	ssyncset.done $0x0  }
0x64: {  	s26 =	simm.s32 $0x2400;
	[sflag:s19] =	ssyncadd.s32 $0xFFFFC000  }
0x65: {  	[spmem:s3] =	stream.indirect.scatter.add.f32 [tilespmem:s17], [sflag:$0x3], $0x80, s26, s16, $0xb8;
	[tilespmem:$0x1FC00] =	vst v63  }
0x66: {  	_ =	swait.ge [sflag:s14], $0x4000  }
0x67: {  	[sflag:s14] =	ssyncset.done $0x0  }
0x68: {  	s28 =	simm.s32 $0x500;
	[sflag:s14] =	ssyncadd.s32 $0xFFFFC000  }
0x69: {  	[tilespmem:s17], [sflag:$0x1] =	stream.indirect.gather [hbm4b:s5+s16], $0x80, s28, s16, $0xb8;
	[tilespmem:$0x1FC00] =	vst v63  }
0x6a: {  	_ =	swait.ge [sflag:s21], $0x4000  }
0x6b: {  	[sflag:s21] =	ssyncset.done $0x0  }
0x6c: {  	s26 =	simm.s32 $0x2480;
	[sflag:s21] =	ssyncadd.s32 $0xFFFFC000  }
0x6d: {  	[spmem:s3] =	stream.indirect.scatter.add.f32 [tilespmem:s18], [sflag:$0x3], $0x80, s26, s16, $0xb8;
	[tilespmem:$0x1FC00] =	vst v63  }
0x6e: {  	_ =	swait.ge [sflag:s14], $0x4000  }
0x6f: {  	[sflag:s14] =	ssyncset.done $0x0  }
0x70: {  	s28 =	simm.s32 $0x580;
	[sflag:s14] =	ssyncadd.s32 $0xFFFFC000  }
0x71: {  	[tilespmem:s18], [sflag:$0x2] =	stream.indirect.gather [hbm4b:s5+s16], $0x80, s28, s16, $0xb8;
	[tilespmem:$0x1FC00] =	vst v63  }
0x72: {  	_ =	swait.ge [sflag:s19], $0x4000  }
0x73: {  	[sflag:s19] =	ssyncset.done $0x0  }
0x74: {  	[sflag:s19] =	ssyncadd.s32 $0xFFFFC000  }
0x75: {  	[spmem:s3] =	stream.indirect.scatter.add.f32 [tilespmem:s17], [sflag:$0x3], $0x80, s29, s16, $0xb8;
	[tilespmem:$0x1FC00] =	vst v63  }
0x76: {  	_ =	swait.ge [sflag:s14], $0x4000  }
0x77: {  	[sflag:s14] =	ssyncset.done $0x0  }
0x78: {  	[sflag:s14] =	ssyncadd.s32 $0xFFFFC000  }
0x79: {  	[tilespmem:s17], [sflag:$0x1] =	stream.indirect.gather [hbm4b:s5+s16], $0x80, s30, s16, $0xb8;
	[tilespmem:$0x1FC00] =	vst v63  }
0x7a: {  	_ =	swait.ge [sflag:s21], $0x4000  }
0x7b: {  	[sflag:s21] =	ssyncset.done $0x0  }
0x7c: {  	[sflag:s21] =	ssyncadd.s32 $0xFFFFC000  }
0x7d: {  	[spmem:s3] =	stream.indirect.scatter.add.f32 [tilespmem:s18], [sflag:$0x3], $0x80, s31, s16, $0xb8;
	[tilespmem:$0x1FC00] =	vst v63  }
0x7e: {  	_ =	swait.ge [sflag:s14], $0x4000  }
0x7f: {  	[sflag:s14] =	ssyncset.done $0x0  }
0x80: {  	[sflag:s14] =	ssyncadd.s32 $0xFFFFC000  }
0x81: {  	[tilespmem:s18], [sflag:$0x2] =	stream.indirect.gather [hbm4b:s5+s16], $0x80, s0, s16, $0xb8;
	[tilespmem:$0x1FC00] =	vst v63  }
0x82: {  	_ =	swait.ge [sflag:s19], $0x4000  }
0x83: {  	[sflag:s19] =	ssyncset.done $0x0  }
0x84: {  	[sflag:s19] =	ssyncadd.s32 $0xFFFFC000  }
0x85: {  	[spmem:s3] =	stream.indirect.scatter.add.f32 [tilespmem:s17], [sflag:$0x3], $0x80, s2, s16, $0xb8;
	[tilespmem:$0x1FC00] =	vst v63  }
0x86: {  	_ =	swait.ge [sflag:s14], $0x4000  }
0x87: {  	[sflag:s14] =	ssyncset.done $0x0  }
0x88: {  	[sflag:s14] =	ssyncadd.s32 $0xFFFFC000  }
0x89: {  	[tilespmem:s17], [sflag:$0x1] =	stream.indirect.gather [hbm4b:s5+s16], $0x80, s20, s16, $0xb8;
	[tilespmem:$0x1FC00] =	vst v63  }
0x8a: {  	_ =	swait.ge [sflag:s21], $0x4000  }
0x8b: {  	[sflag:s21] =	ssyncset.done $0x0  }
0x8c: {  	[sflag:s21] =	ssyncadd.s32 $0xFFFFC000  }
0x8d: {  	[spmem:s3] =	stream.indirect.scatter.add.f32 [tilespmem:s18], [sflag:$0x3], $0x80, s22, s16, $0xb8;
	[tilespmem:$0x1FC00] =	vst v63  }
0x8e: {  	_ =	swait.ge [sflag:s14], $0x4000  }
0x8f: {  	[sflag:s14] =	ssyncset.done $0x0  }
0x90: {  	s25 =	simm.s32 $0x2780;
	s26 =	simm.s32 $0x2700;
	[sflag:s14] =	ssyncadd.s32 $0xFFFFC000  }
0x91: {  	[tilespmem:s18], [sflag:$0x2] =	stream.indirect.gather [hbm4b:s5+s16], $0x80, s23, s16, $0xb8;
	[tilespmem:$0x1FC00] =	vst v63  }
.LBB2_6:
0x92: {  	_ =	swait.ge [sflag:s19], $0x4000  }
0x93: {  	[sflag:s19] =	ssyncset.done $0x0  }
0x94: {  	[sflag:s19] =	ssyncadd.s32 $0xFFFFC000  }
0x95: {  	[spmem:s3] =	stream.indirect.scatter.add.f32 [tilespmem:s17], [sflag:$0x3], $0x80, s26, s16, $0xb8;
	[tilespmem:$0x1FC00] =	vst v63  }
0x96: {  	_ =	swait.ge [sflag:s14], $0x4000  }
0x97: {  	[sflag:s14] =	ssyncset.done $0x0  }
0x98: {  	[sflag:s14] =	ssyncadd.s32 $0xFFFFC000  }
0x99: {  	_ =	swait.ge [sflag:s21], $0x4000  }
0x9a: {  	[sflag:s21] =	ssyncset.done $0x0  }
0x9b: {  	[sflag:s21] =	ssyncadd.s32 $0xFFFFC000  }
0x9c: {  	[spmem:s3] =	stream.indirect.scatter.add.f32 [tilespmem:s18], [sflag:$0x3], $0x80, s25, s16, $0xb8;
	[tilespmem:$0x1FC00] =	vst v63  }
0x9d: {  	_ =	swait.ge [sflag:s14], $0x4000  }
0x9e: {  	s24 =	sadd.s32 $0x1, s24;
	[sflag:s14] =	ssyncset.done $0x0  }
0x9f: {  	p1 =	sne.s32 s24, s12;
	[sflag:s14] =	ssyncadd.s32 $0xFFFFC000  }
.Ltmp1:
0xa0: {  	[bflag:$0x0] =	sbarrier.arrive $0xFFFF;
	(pc) =	sbr.rel @!p1 .LBB2_7-.Ltmp1, $4  }
0xa1: {  	[hbm:s11], [sflag:s6] =	dma.local [spmem:s13], $0x2780  }
0xa2: {  	_ =	swait.ge [sflag:s14], $0x2780  }
0xa3: {  	[sflag:s14] =	ssyncset.done $0x0  }
0xa4: {  	[sflag:s14] =	ssyncadd.s32 $0xFFFFD880  }
.LBB2_1:
.Ltmp2:
0xa5: {  	(pc) =	sbr.rel @p0 .LBB2_5-.Ltmp2, $4  }
0xa6: {  	[spmem:s13], [sflag:s6] =	dma.local [hbm:s1], $0x2780  }
0xa7: {  	_ =	swait.ge [sflag:s14], $0x2780  }
0xa8: {  	[sflag:s14] =	ssyncset.done $0x0  }
0xa9: {  	[sflag:s14] =	ssyncadd.s32 $0xFFFFD880  }
0xaa: {  	s25 =	simm.s32 $0x0  }
0xab: {  	[tilespmem:s25], [sflag:$0x3] =	stream.linear.gather [hbm4b:s7+s25], $0x2000, $0x38;
	[tilespmem:$0x1FC00] =	vst v63  }
0xac: {  	_ =	swait.ge [sflag:s14], $0x2000  }
0xad: {  	[sflag:s14] =	ssyncset.done $0x0  }
0xae: {  	[sflag:s14] =	ssyncadd.s32 $0xFFFFE000  }
0xaf: {  	[tilespmem:s15], [sflag:$0x3] =	stream.linear.gather [hbm4b:s8+s25], $0x2000, $0x38;
	[tilespmem:$0x1FC00] =	vst v63  }
0xb0: {  	_ =	swait.ge [sflag:s14], $0x2000  }
0xb1: {  	[sflag:s14] =	ssyncset.done $0x0  }
0xb2: {  	[sflag:s14] =	ssyncadd.s32 $0xFFFFE000  }
0xb3: {  	[bflag:$0x0] =	sbarrier.arrive $0xFFFF  }
0xb4: {  	[tilespmem:s17], [sflag:$0x1] =	stream.indirect.gather [hbm4b:s5+s16], $0x80, s25, s16, $0xb8;
	[tilespmem:$0x1FC00] =	vst v63  }
0xb5: {  	_ = 	snop  }
0xb6: {  	[tilespmem:s18], [sflag:$0x2] =	stream.indirect.gather [hbm4b:s5+s16], $0x80, s16, s16, $0xb8;
	[tilespmem:$0x1FC00] =	vst v63  }
0xb7: {  	_ =	swait.ge [sflag:s19], $0x4000  }
0xb8: {  	[sflag:s19] =	ssyncset.done $0x0  }
0xb9: {  	s28 =	simm.s32 $0x2000;
	[sflag:s19] =	ssyncadd.s32 $0xFFFFC000  }
0xba: {  	[spmem:s3] =	stream.indirect.scatter.add.f32 [tilespmem:s17], [sflag:$0x3], $0x80, s28, s16, $0xb8;
	[tilespmem:$0x1FC00] =	vst v63  }
0xbb: {  	_ =	swait.ge [sflag:s14], $0x4000  }
0xbc: {  	[sflag:s14] =	ssyncset.done $0x0  }
0xbd: {  	s26 =	simm.s32 $0x100;
	[sflag:s14] =	ssyncadd.s32 $0xFFFFC000  }
0xbe: {  	[tilespmem:s17], [sflag:$0x1] =	stream.indirect.gather [hbm4b:s5+s16], $0x80, s26, s16, $0xb8;
	[tilespmem:$0x1FC00] =	vst v63  }
0xbf: {  	_ =	swait.ge [sflag:s21], $0x4000  }
0xc0: {  	p1 =	por $0x0, $0x0;
	[sflag:s21] =	ssyncset.done $0x0  }
.Ltmp3:
0xc1: {  	s28 =	simm.s32 $0x2080;
	[sflag:s21] =	ssyncadd.s32 $0xFFFFC000;
	(pc) =	sbr.rel @p1 .LBB2_4-.Ltmp3, $4  }
0xc2: {  	[spmem:s3] =	stream.indirect.scatter.add.f32 [tilespmem:s18], [sflag:$0x3], $0x80, s28, s16, $0xb8;
	[tilespmem:$0x1FC00] =	vst v63  }
0xc3: {  	_ =	swait.ge [sflag:s14], $0x4000  }
0xc4: {  	[sflag:s14] =	ssyncset.done $0x0  }
0xc5: {  	s25 =	simm.s32 $0x400;
	s26 =	simm.s32 $0x180;
	[sflag:s14] =	ssyncadd.s32 $0xFFFFC000  }
.LBB2_3:
0xc6: {  	[tilespmem:s18], [sflag:$0x2] =	stream.indirect.gather [hbm4b:s5+s16], $0x80, s26, s16, $0xb8;
	[tilespmem:$0x1FC00] =	vst v63  }
0xc7: {  	s26 =	smov.u32 s25  }
0xc8: {  	p1 =	seq.s32 s25, $0x7800;
	s25 =	sadd.s32 $0x400, s25;
	_ =	swait.ge [sflag:s19], $0x4000  }
0xc9: {  	s26 =	sshra.s32 s26, $0x2;
	[sflag:s19] =	ssyncset.done $0x0  }
0xca: {  	s28 =	sadd.s32 $0x2000, s26;
	[sflag:s19] =	ssyncadd.s32 $0xFFFFC000  }
0xcb: {  	[spmem:s3] =	stream.indirect.scatter.add.f32 [tilespmem:s17], [sflag:$0x3], $0x80, s28, s16, $0xb8;
	[tilespmem:$0x1FC00] =	vst v63  }
0xcc: {  	_ =	swait.ge [sflag:s14], $0x4000  }
0xcd: {  	[sflag:s14] =	ssyncset.done $0x0  }
0xce: {  	s28 =	sadd.s32 $0x100, s26;
	[sflag:s14] =	ssyncadd.s32 $0xFFFFC000  }
0xcf: {  	[tilespmem:s17], [sflag:$0x1] =	stream.indirect.gather [hbm4b:s5+s16], $0x80, s28, s16, $0xb8;
	[tilespmem:$0x1FC00] =	vst v63  }
0xd0: {  	_ =	swait.ge [sflag:s21], $0x4000  }
0xd1: {  	[sflag:s21] =	ssyncset.done $0x0  }
.Ltmp4:
0xd2: {  	s28 =	sadd.s32 $0x2080, s26;
	[sflag:s21] =	ssyncadd.s32 $0xFFFFC000;
	(pc) =	sbr.rel @!p1 .LBB2_3-.Ltmp4, $4  }
0xd3: {  	[spmem:s3] =	stream.indirect.scatter.add.f32 [tilespmem:s18], [sflag:$0x3], $0x80, s28, s16, $0xb8;
	[tilespmem:$0x1FC00] =	vst v63  }
0xd4: {  	_ =	swait.ge [sflag:s14], $0x4000  }
0xd5: {  	[sflag:s14] =	ssyncset.done $0x0  }
0xd6: {  	s26 =	sadd.s32 $0x180, s26;
	[sflag:s14] =	ssyncadd.s32 $0xFFFFC000  }
.LBB2_4:
.Ltmp5:
0xd7: {  	(pc) =	sbr.rel .LBB2_6-.Ltmp5, $3  }
0xd8: {  	_ =	sdelay $0x1  }
0xd9: {  	[tilespmem:s18], [sflag:$0x2] =	stream.indirect.gather [hbm4b:s5+s16], $0x80, s26, s16, $0xb8;
	[tilespmem:$0x1FC00] =	vst v63  }
0xda: {  	s25 =	simm.s32 $0x3F80;
	s26 =	simm.s32 $0x3F00  }
.LBB2_7:
0xdb: {  	_ =	sfence.sel $0x180000  }
0xdc: {  	[bflag:$0x0] =	sbarrier.arrive $0xFFFF  }
0xdd: {  	_ =	strace $0x9000004D  }
0xde: {  	s0 =	stileid.u32;
	[bflag:$0x2] =	sbarrier.arrive $0xFFFF  }
0xdf: {  	p0 =	sne.s32 s0, $0x0;
	s0 =	rddreg [dreg:$0x6]  }
0xe0: {  	s0 =	sadd.s32 @!p0 $0x100000, s0  }
0xe1: {  	[sflag:s0] =	ssyncadd.tile.s32 @!p0 $0x1;
	_ =	shalt  }
.Lfunc_end2:
_tile_overlayer_lowered:
.L_overlay_start_2:
0xe2: {  	(tag) =	ssettag $0x2  }
0xe3: {  	s0 =	rddreg [dreg:$0x0];
	s2 =	stileid.u32  }
0xe4: {  	s1 =	rddreg [dreg:$0x1];
	p0 =	sne.s32 s2, $0x0  }
0xe5: {  	s3 =	rddreg [dreg:$0x2];
	[bflag:$0x3] =	sbarrier.arrive $0xFFFF;
	s2 =	simm.s32 @!p0 $0x1C03  }
0xe6: {  	[timem:s3], [sflag:s2] =	dma.local @!p0 [hbm:s0], s1  }
0xe7: {  	s0 =	simm.s32 @!p0 $0x3  }
0xe8: {  	_ =	swait.ge @!p0 [sflag:s0], s1  }
0xe9: {  	s1 =	ssub.s32 @!p0 $0x0, s1;
	[sflag:s0] =	ssyncset.done @!p0 $0x0  }
0xea: {  	[sflag:s0] =	ssyncadd.s32 @!p0 s1  }
0xeb: {  	[bflag:$0x3] =	sbarrier.arrive $0xFFFF  }
0xec: {  	_ =	shalt  }

</sc_bundles>
